<compile_context>
chip_gen: v7x
topology: tpu7x:2x2x1
jax: 0.10.2.dev20260603
libtpu: 0.0.44.dev20260713+nightly
codegen_flags: <defaults>
</compile_context>

<pallas_src>
import jax
import jax.numpy as jnp
from jax import lax
from jax.experimental import pallas as pl
from jax.experimental.pallas import tpu as pltpu
from jax.experimental.pallas import tpu_sc as plsc

N_TOK = 16384
DIM = 4096
LANES = 16
NC = 2
NS = 16
NW = NC * NS

SC_ROWS = 4096
ROWS_PER_W = SC_ROWS // NW
CHUNK = 4
N_CHUNK = ROWS_PER_W // CHUNK
NBUF = 4

TC_BLOCK = 512


def _sc_body(x_hbm, a_hbm, o_hbm, a_v, bufs, sis, sos):
    wid = lax.axis_index("s") * NC + lax.axis_index("c")
    base = wid * ROWS_PER_W
    pltpu.sync_copy(a_hbm, a_v)

    def in_slice(c):
        return x_hbm.at[pl.ds(base + c * CHUNK, CHUNK)]

    def out_slice(c):
        return o_hbm.at[pl.ds(base + c * CHUNK, CHUNK)]

    for b in range(2):
        pltpu.async_copy(in_slice(b), bufs[b], sis[b])

    def quad_body(c4, _):
        for b in range(NBUF):
            c = c4 * NBUF + b
            buf, si, so = bufs[b], sis[b], sos[b]
            b2 = (b + 2) % NBUF

            @pl.when(c + 2 < N_CHUNK)
            def _():
                @pl.when(c - 2 >= 0)
                def _():
                    pltpu.make_async_copy(bufs[b2], out_slice(c - 2), sos[b2]).wait()
                pltpu.async_copy(in_slice(c + 2), bufs[b2], sis[b2])

            pltpu.make_async_copy(in_slice(c), buf, si).wait()

            @plsc.parallel_loop(0, DIM // LANES, unroll=8)
            def col_body(k):
                a_reg = a_v[pl.ds(k * LANES, LANES)]
                for r in range(CHUNK):
                    buf[r, pl.ds(k * LANES, LANES)] = (
                        buf[r, pl.ds(k * LANES, LANES)] * a_reg
                    )

            pltpu.async_copy(buf, out_slice(c), so)
        return 0

    lax.fori_loop(0, N_CHUNK // NBUF, quad_body, 0)

    for b in range(NBUF):
        c = N_CHUNK - NBUF + b
        pltpu.make_async_copy(bufs[b], out_slice(c), sos[b]).wait()


def _tc_body(a_ref, x_ref, o_ref):
    o_ref[...] = x_ref[...] * a_ref[...]


def kernel(x, a):
    mesh = plsc.VectorSubcoreMesh(core_axis_name="c", subcore_axis_name="s")
    sc_out = pl.kernel(
        _sc_body,
        out_type=jax.ShapeDtypeStruct((SC_ROWS, DIM), jnp.float32),
        mesh=mesh,
        scratch_types=[
            pltpu.VMEM((DIM,), jnp.float32),
            [pltpu.VMEM((CHUNK, DIM), jnp.float32) for _ in range(NBUF)],
            [pltpu.SemaphoreType.DMA for _ in range(NBUF)],
            [pltpu.SemaphoreType.DMA for _ in range(NBUF)],
        ],
    )(x, a)

    a2 = a.reshape(1, DIM)
    tc_full = pl.pallas_call(
        _tc_body,
        grid=((N_TOK - SC_ROWS) // TC_BLOCK,),
        in_specs=[
            pl.BlockSpec((1, DIM), lambda i: (0, 0)),
            pl.BlockSpec((TC_BLOCK, DIM), lambda i: (SC_ROWS // TC_BLOCK + i, 0)),
        ],
        out_specs=pl.BlockSpec((TC_BLOCK, DIM), lambda i: (SC_ROWS // TC_BLOCK + i, 0)),
        out_shape=jax.ShapeDtypeStruct((N_TOK, DIM), jnp.float32),
        compiler_params=pltpu.CompilerParams(
            dimension_semantics=("parallel",),
        ),
    )(a2, x)

    return lax.dynamic_update_slice(tc_full, sc_out, (0, 0))

# --- scband reference (transcript-rebuilt; emitter-appended) ---
"""Pipeline reference for scband-input-layer-4045859193072 (READ-ONLY COPY).

The authoritative reference and input builder live on the scoring server;
editing this copy changes nothing except your own understanding.
"""

import jax, jax.numpy as jnp
import numpy as np

DIM = 4096
N_TOK = 16384

def setup_inputs(seed: int = 0) -> dict:
    key = jax.random.key(seed)
    x = jax.random.normal(key, (N_TOK, DIM), dtype=jnp.float32)
    # learned per-dimension scale, initialized to 1 as in reset_parameters / fill_(1)
    a = jnp.ones((DIM,), dtype=jnp.float32)
    return {"x": x, "a": a}

def reference(x, a):
    # clustering is None branch: elementwise broadcast scale over last dim
    return a * x

if __name__ == "__main__":
    import jax
    _d = setup_inputs()
    print(jax.jit(kernel)(*tuple(_d.values())))

</pallas_src>

<mosaic_0001>
#map = affine_map<(d0, d1) -> (0, 0)>
#map1 = affine_map<(d0, d1) -> (0)>
module attributes {stable_mosaic.version = 14 : i64} {
  func.func @_sc_body(%arg0: i32, %arg1: i32, %arg2: memref<16384x4096xf32, #tpu.memory_space<hbm>>, %arg3: memref<4096xf32, #tpu.memory_space<hbm>>, %arg4: memref<4096x4096xf32, #tpu.memory_space<hbm>>, %arg5: memref<4096xf32, #tpu.memory_space<vmem>>, %arg6: memref<4x4096xf32, #tpu.memory_space<vmem>>, %arg7: memref<4x4096xf32, #tpu.memory_space<vmem>>, %arg8: memref<4x4096xf32, #tpu.memory_space<vmem>>, %arg9: memref<4x4096xf32, #tpu.memory_space<vmem>>, %arg10: memref<!tpu.dma_semaphore, #tpu.memory_space<semaphore_mem>>, %arg11: memref<!tpu.dma_semaphore, #tpu.memory_space<semaphore_mem>>, %arg12: memref<!tpu.dma_semaphore, #tpu.memory_space<semaphore_mem>>, %arg13: memref<!tpu.dma_semaphore, #tpu.memory_space<semaphore_mem>>, %arg14: memref<!tpu.dma_semaphore, #tpu.memory_space<semaphore_mem>>, %arg15: memref<!tpu.dma_semaphore, #tpu.memory_space<semaphore_mem>>, %arg16: memref<!tpu.dma_semaphore, #tpu.memory_space<semaphore_mem>>, %arg17: memref<!tpu.dma_semaphore, #tpu.memory_space<semaphore_mem>>) attributes {dimension_semantics = [#tpu.dimension_semantics<core_parallel>, #tpu.dimension_semantics<subcore_parallel>], iteration_bounds = array<i64: 2, 16>, scalar_prefetch = 0 : i64, scratch_operands = 13 : i64, tpu.core_type = #tpu.core_type<sc_vector_subcore>, window_params = [{transform_indices = #map}, {transform_indices = #map1}, {transform_indices = #map}]} {
    %mul3A = arith.constant 2 : i32
    %mul3A_0 = arith.muli %arg1, %mul3A : i32
    %add3A = arith.addi %mul3A_0, %arg0 : i32
    %mul3A_1 = arith.constant 128 : i32
    %mul3A_2 = arith.muli %add3A, %mul3A_1 : i32
    "tpu.region"() ({
      %run_scoped3A = tpu.sem_alloc : memref<!tpu.dma_semaphore, #tpu.memory_space<semaphore_mem>>
      tpu.enqueue_dma source(%arg3 : memref<4096xf32, #tpu.memory_space<hbm>>) target(%arg5 : memref<4096xf32, #tpu.memory_space<vmem>>) target_semaphore(%run_scoped3A : memref<!tpu.dma_semaphore, #tpu.memory_space<semaphore_mem>>)
      tpu.wait_dma2 semaphore(%run_scoped3A : memref<!tpu.dma_semaphore, #tpu.memory_space<semaphore_mem>>) src(%arg3 : memref<4096xf32, #tpu.memory_space<hbm>>) dst(%arg5 : memref<4096xf32, #tpu.memory_space<vmem>>)
      tpu.yield
    }) : () -> ()
    %add3A_3 = arith.constant 0 : i32
    %add3A_4 = arith.addi %mul3A_2, %add3A_3 : i32
    %dma_start3A = arith.constant 0 : i32
    %dma_start3A_5 = tpu.memref_slice %arg2[%add3A_4, %dma_start3A] : memref<16384x4096xf32, #tpu.memory_space<hbm>> -> memref<4x4096xf32, #tpu.memory_space<hbm>>
    %dma_start3A_6 = arith.constant 0 : i32
    %dma_start3A_7 = tpu.memref_slice %arg2[%add3A_4, %dma_start3A_6] : memref<16384x4096xf32, #tpu.memory_space<hbm>> -> memref<4x4096xf32, #tpu.memory_space<hbm>>
    tpu.enqueue_dma source(%dma_start3A_7 : memref<4x4096xf32, #tpu.memory_space<hbm>>) target(%arg6 : memref<4x4096xf32, #tpu.memory_space<vmem>>) target_semaphore(%arg10 : memref<!tpu.dma_semaphore, #tpu.memory_space<semaphore_mem>>)
    %add3A_8 = arith.constant 4 : i32
    %add3A_9 = arith.addi %mul3A_2, %add3A_8 : i32
    %dma_start3A_10 = arith.constant 0 : i32
    %dma_start3A_11 = tpu.memref_slice %arg2[%add3A_9, %dma_start3A_10] : memref<16384x4096xf32, #tpu.memory_space<hbm>> -> memref<4x4096xf32, #tpu.memory_space<hbm>>
    %dma_start3A_12 = arith.constant 0 : i32
    %dma_start3A_13 = tpu.memref_slice %arg2[%add3A_9, %dma_start3A_12] : memref<16384x4096xf32, #tpu.memory_space<hbm>> -> memref<4x4096xf32, #tpu.memory_space<hbm>>
    tpu.enqueue_dma source(%dma_start3A_13 : memref<4x4096xf32, #tpu.memory_space<hbm>>) target(%arg7 : memref<4x4096xf32, #tpu.memory_space<vmem>>) target_semaphore(%arg11 : memref<!tpu.dma_semaphore, #tpu.memory_space<semaphore_mem>>)
    %scan3A = arith.constant 0 : i32
    %scan3A_14 = arith.constant 0 : i32
    %scan3A_15 = arith.constant 8 : i32
    %scan3A_16 = arith.addi %scan3A_14, %scan3A_15 : i32
    %scan3A_17 = arith.constant 1 : i32
    %scan3A_18 = scf.for %scan3A_43 = %scan3A_14 to %scan3A_16 step %scan3A_17 iter_args(%scan3A_44 = %scan3A) -> (i32)  : i32 {
      %mul3A_45 = arith.constant 4 : i32
      %mul3A_46 = arith.muli %scan3A_43, %mul3A_45 : i32
      %add3A_47 = arith.constant 0 : i32
      %add3A_48 = arith.addi %mul3A_46, %add3A_47 : i32
      %add3A_49 = arith.constant 2 : i32
      %add3A_50 = arith.addi %add3A_48, %add3A_49 : i32
      %lt3A = arith.constant 32 : i32
      %lt3A_51 = arith.cmpi slt, %add3A_50, %lt3A : i32
      %convert_element_type3A = arith.extui %lt3A_51 : i1 to i32
      %cond3A = arith.constant 0 : i32
      %cond3A_52 = arith.cmpi ne, %convert_element_type3A, %cond3A : i32
      scf.if %cond3A_52 {
        %sub3A = arith.constant 2 : i32
        %sub3A_154 = arith.subi %add3A_48, %sub3A : i32
        %ge3A = arith.constant 0 : i32
        %ge3A_155 = arith.cmpi sge, %sub3A_154, %ge3A : i32
        %convert_element_type3A_156 = arith.extui %ge3A_155 : i1 to i32
        %cond3A_157 = arith.constant 0 : i32
        %cond3A_158 = arith.cmpi ne, %convert_element_type3A_156, %cond3A_157 : i32
        scf.if %cond3A_158 {
          %sub3A_168 = arith.constant 2 : i32
          %sub3A_169 = arith.subi %add3A_48, %sub3A_168 : i32
          %mul3A_170 = arith.constant 4 : i32
          %mul3A_171 = arith.muli %sub3A_169, %mul3A_170 : i32
          %add3A_172 = arith.addi %mul3A_2, %mul3A_171 : i32
          %dma_wait3A_173 = arith.constant 0 : i32
          %dma_wait3A_174 = tpu.memref_slice %arg4[%add3A_172, %dma_wait3A_173] : memref<4096x4096xf32, #tpu.memory_space<hbm>> -> memref<4x4096xf32, #tpu.memory_space<hbm>>
          %dma_wait3A_175 = arith.constant 0 : i32
          %dma_wait3A_176 = tpu.memref_slice %arg4[%add3A_172, %dma_wait3A_175] : memref<4096x4096xf32, #tpu.memory_space<hbm>> -> memref<4x4096xf32, #tpu.memory_space<hbm>>
          tpu.wait_dma2 semaphore(%arg16 : memref<!tpu.dma_semaphore, #tpu.memory_space<semaphore_mem>>) src(%arg8 : memref<4x4096xf32, #tpu.memory_space<vmem>>) dst(%dma_wait3A_176 : memref<4x4096xf32, #tpu.memory_space<hbm>>)
        } else {
        }
        %add3A_159 = arith.constant 2 : i32
        %add3A_160 = arith.addi %add3A_48, %add3A_159 : i32
        %mul3A_161 = arith.constant 4 : i32
        %mul3A_162 = arith.muli %add3A_160, %mul3A_161 : i32
        %add3A_163 = arith.addi %mul3A_2, %mul3A_162 : i32
        %dma_start3A_164 = arith.constant 0 : i32
        %dma_start3A_165 = tpu.memref_slice %arg2[%add3A_163, %dma_start3A_164] : memref<16384x4096xf32, #tpu.memory_space<hbm>> -> memref<4x4096xf32, #tpu.memory_space<hbm>>
        %dma_start3A_166 = arith.constant 0 : i32
        %dma_start3A_167 = tpu.memref_slice %arg2[%add3A_163, %dma_start3A_166] : memref<16384x4096xf32, #tpu.memory_space<hbm>> -> memref<4x4096xf32, #tpu.memory_space<hbm>>
        tpu.enqueue_dma source(%dma_start3A_167 : memref<4x4096xf32, #tpu.memory_space<hbm>>) target(%arg8 : memref<4x4096xf32, #tpu.memory_space<vmem>>) target_semaphore(%arg12 : memref<!tpu.dma_semaphore, #tpu.memory_space<semaphore_mem>>)
      } else {
      }
      %mul3A_53 = arith.constant 4 : i32
      %mul3A_54 = arith.muli %add3A_48, %mul3A_53 : i32
      %add3A_55 = arith.addi %mul3A_2, %mul3A_54 : i32
      %dma_wait3A_56 = arith.constant 0 : i32
      %dma_wait3A_57 = tpu.memref_slice %arg2[%add3A_55, %dma_wait3A_56] : memref<16384x4096xf32, #tpu.memory_space<hbm>> -> memref<4x4096xf32, #tpu.memory_space<hbm>>
      %dma_wait3A_58 = arith.constant 0 : i32
      %dma_wait3A_59 = tpu.memref_slice %arg2[%add3A_55, %dma_wait3A_58] : memref<16384x4096xf32, #tpu.memory_space<hbm>> -> memref<4x4096xf32, #tpu.memory_space<hbm>>
      tpu.wait_dma2 semaphore(%arg10 : memref<!tpu.dma_semaphore, #tpu.memory_space<semaphore_mem>>) src(%dma_wait3A_59 : memref<4x4096xf32, #tpu.memory_space<hbm>>) dst(%arg6 : memref<4x4096xf32, #tpu.memory_space<vmem>>)
      %parallel_loop3A = arith.constant 0 : i32
      %parallel_loop3A_60 = arith.constant 256 : i32
      %parallel_loop3A_61 = arith.constant 1 : i32
      scf.for %parallel_loop3A_154 = %parallel_loop3A to %parallel_loop3A_60 step %parallel_loop3A_61  : i32 {
        %parallel_loop3A_155 = arith.constant 16 : i32
        %parallel_loop3A_156 = arith.muli %parallel_loop3A_154, %parallel_loop3A_155 : i32
        %parallel_loop3A_157 = arith.index_cast %parallel_loop3A_156 : i32 to index
        %parallel_loop3A_158 = tpu.vector_load %arg5[%parallel_loop3A_157] {strides = array<i32>} : memref<4096xf32, #tpu.memory_space<vmem>>, vector<16xf32>,
        %parallel_loop3A_159 = vector.shape_cast %parallel_loop3A_158 : vector<16xf32> to vector<16xf32>
        %parallel_loop3A_160 = arith.constant 16 : i32
        %parallel_loop3A_161 = arith.muli %parallel_loop3A_154, %parallel_loop3A_160 : i32
        %parallel_loop3A_162 = arith.constant 0 : i32
        %parallel_loop3A_163 = arith.index_cast %parallel_loop3A_162 : i32 to index
        %parallel_loop3A_164 = arith.index_cast %parallel_loop3A_161 : i32 to index
        %parallel_loop3A_165 = tpu.vector_load %arg6[%parallel_loop3A_163, %parallel_loop3A_164] {strides = array<i32>} : memref<4x4096xf32, #tpu.memory_space<vmem>>, vector<1x16xf32>,
        %parallel_loop3A_166 = vector.shape_cast %parallel_loop3A_165 : vector<1x16xf32> to vector<16xf32>
        %parallel_loop3A_167 = arith.mulf %parallel_loop3A_166, %parallel_loop3A_159 : vector<16xf32>
        %parallel_loop3A_168 = arith.constant 16 : i32
        %parallel_loop3A_169 = arith.muli %parallel_loop3A_154, %parallel_loop3A_168 : i32
        %parallel_loop3A_170 = arith.constant 0 : i32
        %parallel_loop3A_171 = arith.index_cast %parallel_loop3A_170 : i32 to index
        %parallel_loop3A_172 = arith.index_cast %parallel_loop3A_169 : i32 to index
        %parallel_loop3A_173 = tpu.vector_load %arg6[%parallel_loop3A_171, %parallel_loop3A_172] {strides = array<i32>} : memref<4x4096xf32, #tpu.memory_space<vmem>>, vector<1x16xf32>,
        %parallel_loop3A_174 = vector.shape_cast %parallel_loop3A_173 : vector<1x16xf32> to vector<16xf32>
        %parallel_loop3A_175 = vector.shape_cast %parallel_loop3A_167 : vector<16xf32> to vector<1x16xf32>
        tpu.vector_store %arg6[%parallel_loop3A_171, %parallel_loop3A_172], %parallel_loop3A_175 {strides = array<i32>} : memref<4x4096xf32, #tpu.memory_space<vmem>>, vector<1x16xf32>,
        %parallel_loop3A_176 = arith.constant 16 : i32
        %parallel_loop3A_177 = arith.muli %parallel_loop3A_154, %parallel_loop3A_176 : i32
        %parallel_loop3A_178 = arith.constant 1 : i32
        %parallel_loop3A_179 = arith.index_cast %parallel_loop3A_178 : i32 to index
        %parallel_loop3A_180 = arith.index_cast %parallel_loop3A_177 : i32 to index
        %parallel_loop3A_181 = tpu.vector_load %arg6[%parallel_loop3A_179, %parallel_loop3A_180] {strides = array<i32>} : memref<4x4096xf32, #tpu.memory_space<vmem>>, vector<1x16xf32>,
        %parallel_loop3A_182 = vector.shape_cast %parallel_loop3A_181 : vector<1x16xf32> to vector<16xf32>
        %parallel_loop3A_183 = arith.mulf %parallel_loop3A_182, %parallel_loop3A_159 : vector<16xf32>
        %parallel_loop3A_184 = arith.constant 16 : i32
        %parallel_loop3A_185 = arith.muli %parallel_loop3A_154, %parallel_loop3A_184 : i32
        %parallel_loop3A_186 = arith.constant 1 : i32
        %parallel_loop3A_187 = arith.index_cast %parallel_loop3A_186 : i32 to index
        %parallel_loop3A_188 = arith.index_cast %parallel_loop3A_185 : i32 to index
        %parallel_loop3A_189 = tpu.vector_load %arg6[%parallel_loop3A_187, %parallel_loop3A_188] {strides = array<i32>} : memref<4x4096xf32, #tpu.memory_space<vmem>>, vector<1x16xf32>,
        %parallel_loop3A_190 = vector.shape_cast %parallel_loop3A_189 : vector<1x16xf32> to vector<16xf32>
        %parallel_loop3A_191 = vector.shape_cast %parallel_loop3A_183 : vector<16xf32> to vector<1x16xf32>
        tpu.vector_store %arg6[%parallel_loop3A_187, %parallel_loop3A_188], %parallel_loop3A_191 {strides = array<i32>} : memref<4x4096xf32, #tpu.memory_space<vmem>>, vector<1x16xf32>,
        %parallel_loop3A_192 = arith.constant 16 : i32
        %parallel_loop3A_193 = arith.muli %parallel_loop3A_154, %parallel_loop3A_192 : i32
        %parallel_loop3A_194 = arith.constant 2 : i32
        %parallel_loop3A_195 = arith.index_cast %parallel_loop3A_194 : i32 to index
        %parallel_loop3A_196 = arith.index_cast %parallel_loop3A_193 : i32 to index
        %parallel_loop3A_197 = tpu.vector_load %arg6[%parallel_loop3A_195, %parallel_loop3A_196] {strides = array<i32>} : memref<4x4096xf32, #tpu.memory_space<vmem>>, vector<1x16xf32>,
        %parallel_loop3A_198 = vector.shape_cast %parallel_loop3A_197 : vector<1x16xf32> to vector<16xf32>
        %parallel_loop3A_199 = arith.mulf %parallel_loop3A_198, %parallel_loop3A_159 : vector<16xf32>
        %parallel_loop3A_200 = arith.constant 16 : i32
        %parallel_loop3A_201 = arith.muli %parallel_loop3A_154, %parallel_loop3A_200 : i32
        %parallel_loop3A_202 = arith.constant 2 : i32
        %parallel_loop3A_203 = arith.index_cast %parallel_loop3A_202 : i32 to index
        %parallel_loop3A_204 = arith.index_cast %parallel_loop3A_201 : i32 to index
        %parallel_loop3A_205 = tpu.vector_load %arg6[%parallel_loop3A_203, %parallel_loop3A_204] {strides = array<i32>} : memref<4x4096xf32, #tpu.memory_space<vmem>>, vector<1x16xf32>,
        %parallel_loop3A_206 = vector.shape_cast %parallel_loop3A_205 : vector<1x16xf32> to vector<16xf32>
        %parallel_loop3A_207 = vector.shape_cast %parallel_loop3A_199 : vector<16xf32> to vector<1x16xf32>
        tpu.vector_store %arg6[%parallel_loop3A_203, %parallel_loop3A_204], %parallel_loop3A_207 {strides = array<i32>} : memref<4x4096xf32, #tpu.memory_space<vmem>>, vector<1x16xf32>,
        %parallel_loop3A_208 = arith.constant 16 : i32
        %parallel_loop3A_209 = arith.muli %parallel_loop3A_154, %parallel_loop3A_208 : i32
        %parallel_loop3A_210 = arith.constant 3 : i32
        %parallel_loop3A_211 = arith.index_cast %parallel_loop3A_210 : i32 to index
        %parallel_loop3A_212 = arith.index_cast %parallel_loop3A_209 : i32 to index
        %parallel_loop3A_213 = tpu.vector_load %arg6[%parallel_loop3A_211, %parallel_loop3A_212] {strides = array<i32>} : memref<4x4096xf32, #tpu.memory_space<vmem>>, vector<1x16xf32>,
        %parallel_loop3A_214 = vector.shape_cast %parallel_loop3A_213 : vector<1x16xf32> to vector<16xf32>
        %parallel_loop3A_215 = arith.mulf %parallel_loop3A_214, %parallel_loop3A_159 : vector<16xf32>
        %parallel_loop3A_216 = arith.constant 16 : i32
        %parallel_loop3A_217 = arith.muli %parallel_loop3A_154, %parallel_loop3A_216 : i32
        %parallel_loop3A_218 = arith.constant 3 : i32
        %parallel_loop3A_219 = arith.index_cast %parallel_loop3A_218 : i32 to index
        %parallel_loop3A_220 = arith.index_cast %parallel_loop3A_217 : i32 to index
        %parallel_loop3A_221 = tpu.vector_load %arg6[%parallel_loop3A_219, %parallel_loop3A_220] {strides = array<i32>} : memref<4x4096xf32, #tpu.memory_space<vmem>>, vector<1x16xf32>,
        %parallel_loop3A_222 = vector.shape_cast %parallel_loop3A_221 : vector<1x16xf32> to vector<16xf32>
        %parallel_loop3A_223 = vector.shape_cast %parallel_loop3A_215 : vector<16xf32> to vector<1x16xf32>
        tpu.vector_store %arg6[%parallel_loop3A_219, %parallel_loop3A_220], %parallel_loop3A_223 {strides = array<i32>} : memref<4x4096xf32, #tpu.memory_space<vmem>>, vector<1x16xf32>,
      } {sc.loop_unroll_factor = 8 : i64, sc.parallel_access}
      %mul3A_62 = arith.constant 4 : i32
      %mul3A_63 = arith.muli %add3A_48, %mul3A_62 : i32
      %add3A_64 = arith.addi %mul3A_2, %mul3A_63 : i32
      %dma_start3A_65 = arith.constant 0 : i32
      %dma_start3A_66 = tpu.memref_slice %arg4[%add3A_64, %dma_start3A_65] : memref<4096x4096xf32, #tpu.memory_space<hbm>> -> memref<4x4096xf32, #tpu.memory_space<hbm>>
      %dma_start3A_67 = arith.constant 0 : i32
      %dma_start3A_68 = tpu.memref_slice %arg4[%add3A_64, %dma_start3A_67] : memref<4096x4096xf32, #tpu.memory_space<hbm>> -> memref<4x4096xf32, #tpu.memory_space<hbm>>
      tpu.enqueue_dma source(%arg6 : memref<4x4096xf32, #tpu.memory_space<vmem>>) target(%dma_start3A_68 : memref<4x4096xf32, #tpu.memory_space<hbm>>) target_semaphore(%arg14 : memref<!tpu.dma_semaphore, #tpu.memory_space<semaphore_mem>>)
      %mul3A_69 = arith.constant 4 : i32
      %mul3A_70 = arith.muli %scan3A_43, %mul3A_69 : i32
      %add3A_71 = arith.constant 1 : i32
      %add3A_72 = arith.addi %mul3A_70, %add3A_71 : i32
      %add3A_73 = arith.constant 2 : i32
      %add3A_74 = arith.addi %add3A_72, %add3A_73 : i32
      %lt3A_75 = arith.constant 32 : i32
      %lt3A_76 = arith.cmpi slt, %add3A_74, %lt3A_75 : i32
      %convert_element_type3A_77 = arith.extui %lt3A_76 : i1 to i32
      %cond3A_78 = arith.constant 0 : i32
      %cond3A_79 = arith.cmpi ne, %convert_element_type3A_77, %cond3A_78 : i32
      scf.if %cond3A_79 {
        %sub3A = arith.constant 2 : i32
        %sub3A_154 = arith.subi %add3A_72, %sub3A : i32
        %ge3A = arith.constant 0 : i32
        %ge3A_155 = arith.cmpi sge, %sub3A_154, %ge3A : i32
        %convert_element_type3A_156 = arith.extui %ge3A_155 : i1 to i32
        %cond3A_157 = arith.constant 0 : i32
        %cond3A_158 = arith.cmpi ne, %convert_element_type3A_156, %cond3A_157 : i32
        scf.if %cond3A_158 {
          %sub3A_168 = arith.constant 2 : i32
          %sub3A_169 = arith.subi %add3A_72, %sub3A_168 : i32
          %mul3A_170 = arith.constant 4 : i32
          %mul3A_171 = arith.muli %sub3A_169, %mul3A_170 : i32
          %add3A_172 = arith.addi %mul3A_2, %mul3A_171 : i32
          %dma_wait3A_173 = arith.constant 0 : i32
          %dma_wait3A_174 = tpu.memref_slice %arg4[%add3A_172, %dma_wait3A_173] : memref<4096x4096xf32, #tpu.memory_space<hbm>> -> memref<4x4096xf32, #tpu.memory_space<hbm>>
          %dma_wait3A_175 = arith.constant 0 : i32
          %dma_wait3A_176 = tpu.memref_slice %arg4[%add3A_172, %dma_wait3A_175] : memref<4096x4096xf32, #tpu.memory_space<hbm>> -> memref<4x4096xf32, #tpu.memory_space<hbm>>
          tpu.wait_dma2 semaphore(%arg17 : memref<!tpu.dma_semaphore, #tpu.memory_space<semaphore_mem>>) src(%arg9 : memref<4x4096xf32, #tpu.memory_space<vmem>>) dst(%dma_wait3A_176 : memref<4x4096xf32, #tpu.memory_space<hbm>>)
        } else {
        }
        %add3A_159 = arith.constant 2 : i32
        %add3A_160 = arith.addi %add3A_72, %add3A_159 : i32
        %mul3A_161 = arith.constant 4 : i32
        %mul3A_162 = arith.muli %add3A_160, %mul3A_161 : i32
        %add3A_163 = arith.addi %mul3A_2, %mul3A_162 : i32
        %dma_start3A_164 = arith.constant 0 : i32
        %dma_start3A_165 = tpu.memref_slice %arg2[%add3A_163, %dma_start3A_164] : memref<16384x4096xf32, #tpu.memory_space<hbm>> -> memref<4x4096xf32, #tpu.memory_space<hbm>>
        %dma_start3A_166 = arith.constant 0 : i32
        %dma_start3A_167 = tpu.memref_slice %arg2[%add3A_163, %dma_start3A_166] : memref<16384x4096xf32, #tpu.memory_space<hbm>> -> memref<4x4096xf32, #tpu.memory_space<hbm>>
        tpu.enqueue_dma source(%dma_start3A_167 : memref<4x4096xf32, #tpu.memory_space<hbm>>) target(%arg9 : memref<4x4096xf32, #tpu.memory_space<vmem>>) target_semaphore(%arg13 : memref<!tpu.dma_semaphore, #tpu.memory_space<semaphore_mem>>)
      } else {
      }
      %mul3A_80 = arith.constant 4 : i32
      %mul3A_81 = arith.muli %add3A_72, %mul3A_80 : i32
      %add3A_82 = arith.addi %mul3A_2, %mul3A_81 : i32
      %dma_wait3A_83 = arith.constant 0 : i32
      %dma_wait3A_84 = tpu.memref_slice %arg2[%add3A_82, %dma_wait3A_83] : memref<16384x4096xf32, #tpu.memory_space<hbm>> -> memref<4x4096xf32, #tpu.memory_space<hbm>>
      %dma_wait3A_85 = arith.constant 0 : i32
      %dma_wait3A_86 = tpu.memref_slice %arg2[%add3A_82, %dma_wait3A_85] : memref<16384x4096xf32, #tpu.memory_space<hbm>> -> memref<4x4096xf32, #tpu.memory_space<hbm>>
      tpu.wait_dma2 semaphore(%arg11 : memref<!tpu.dma_semaphore, #tpu.memory_space<semaphore_mem>>) src(%dma_wait3A_86 : memref<4x4096xf32, #tpu.memory_space<hbm>>) dst(%arg7 : memref<4x4096xf32, #tpu.memory_space<vmem>>)
      %parallel_loop3A_87 = arith.constant 0 : i32
      %parallel_loop3A_88 = arith.constant 256 : i32
      %parallel_loop3A_89 = arith.constant 1 : i32
      scf.for %parallel_loop3A_154 = %parallel_loop3A_87 to %parallel_loop3A_88 step %parallel_loop3A_89  : i32 {
        %parallel_loop3A_155 = arith.constant 16 : i32
        %parallel_loop3A_156 = arith.muli %parallel_loop3A_154, %parallel_loop3A_155 : i32
        %parallel_loop3A_157 = arith.index_cast %parallel_loop3A_156 : i32 to index
        %parallel_loop3A_158 = tpu.vector_load %arg5[%parallel_loop3A_157] {strides = array<i32>} : memref<4096xf32, #tpu.memory_space<vmem>>, vector<16xf32>,
        %parallel_loop3A_159 = vector.shape_cast %parallel_loop3A_158 : vector<16xf32> to vector<16xf32>
        %parallel_loop3A_160 = arith.constant 16 : i32
        %parallel_loop3A_161 = arith.muli %parallel_loop3A_154, %parallel_loop3A_160 : i32
        %parallel_loop3A_162 = arith.constant 0 : i32
        %parallel_loop3A_163 = arith.index_cast %parallel_loop3A_162 : i32 to index
        %parallel_loop3A_164 = arith.index_cast %parallel_loop3A_161 : i32 to index
        %parallel_loop3A_165 = tpu.vector_load %arg7[%parallel_loop3A_163, %parallel_loop3A_164] {strides = array<i32>} : memref<4x4096xf32, #tpu.memory_space<vmem>>, vector<1x16xf32>,
        %parallel_loop3A_166 = vector.shape_cast %parallel_loop3A_165 : vector<1x16xf32> to vector<16xf32>
        %parallel_loop3A_167 = arith.mulf %parallel_loop3A_166, %parallel_loop3A_159 : vector<16xf32>
        %parallel_loop3A_168 = arith.constant 16 : i32
        %parallel_loop3A_169 = arith.muli %parallel_loop3A_154, %parallel_loop3A_168 : i32
        %parallel_loop3A_170 = arith.constant 0 : i32
        %parallel_loop3A_171 = arith.index_cast %parallel_loop3A_170 : i32 to index
        %parallel_loop3A_172 = arith.index_cast %parallel_loop3A_169 : i32 to index
        %parallel_loop3A_173 = tpu.vector_load %arg7[%parallel_loop3A_171, %parallel_loop3A_172] {strides = array<i32>} : memref<4x4096xf32, #tpu.memory_space<vmem>>, vector<1x16xf32>,
        %parallel_loop3A_174 = vector.shape_cast %parallel_loop3A_173 : vector<1x16xf32> to vector<16xf32>
        %parallel_loop3A_175 = vector.shape_cast %parallel_loop3A_167 : vector<16xf32> to vector<1x16xf32>
        tpu.vector_store %arg7[%parallel_loop3A_171, %parallel_loop3A_172], %parallel_loop3A_175 {strides = array<i32>} : memref<4x4096xf32, #tpu.memory_space<vmem>>, vector<1x16xf32>,
        %parallel_loop3A_176 = arith.constant 16 : i32
        %parallel_loop3A_177 = arith.muli %parallel_loop3A_154, %parallel_loop3A_176 : i32
        %parallel_loop3A_178 = arith.constant 1 : i32
        %parallel_loop3A_179 = arith.index_cast %parallel_loop3A_178 : i32 to index
        %parallel_loop3A_180 = arith.index_cast %parallel_loop3A_177 : i32 to index
        %parallel_loop3A_181 = tpu.vector_load %arg7[%parallel_loop3A_179, %parallel_loop3A_180] {strides = array<i32>} : memref<4x4096xf32, #tpu.memory_space<vmem>>, vector<1x16xf32>,
        %parallel_loop3A_182 = vector.shape_cast %parallel_loop3A_181 : vector<1x16xf32> to vector<16xf32>
        %parallel_loop3A_183 = arith.mulf %parallel_loop3A_182, %parallel_loop3A_159 : vector<16xf32>
        %parallel_loop3A_184 = arith.constant 16 : i32
        %parallel_loop3A_185 = arith.muli %parallel_loop3A_154, %parallel_loop3A_184 : i32
        %parallel_loop3A_186 = arith.constant 1 : i32
        %parallel_loop3A_187 = arith.index_cast %parallel_loop3A_186 : i32 to index
        %parallel_loop3A_188 = arith.index_cast %parallel_loop3A_185 : i32 to index
        %parallel_loop3A_189 = tpu.vector_load %arg7[%parallel_loop3A_187, %parallel_loop3A_188] {strides = array<i32>} : memref<4x4096xf32, #tpu.memory_space<vmem>>, vector<1x16xf32>,
        %parallel_loop3A_190 = vector.shape_cast %parallel_loop3A_189 : vector<1x16xf32> to vector<16xf32>
        %parallel_loop3A_191 = vector.shape_cast %parallel_loop3A_183 : vector<16xf32> to vector<1x16xf32>
        tpu.vector_store %arg7[%parallel_loop3A_187, %parallel_loop3A_188], %parallel_loop3A_191 {strides = array<i32>} : memref<4x4096xf32, #tpu.memory_space<vmem>>, vector<1x16xf32>,
        %parallel_loop3A_192 = arith.constant 16 : i32
        %parallel_loop3A_193 = arith.muli %parallel_loop3A_154, %parallel_loop3A_192 : i32
        %parallel_loop3A_194 = arith.constant 2 : i32
        %parallel_loop3A_195 = arith.index_cast %parallel_loop3A_194 : i32 to index
        %parallel_loop3A_196 = arith.index_cast %parallel_loop3A_193 : i32 to index
        %parallel_loop3A_197 = tpu.vector_load %arg7[%parallel_loop3A_195, %parallel_loop3A_196] {strides = array<i32>} : memref<4x4096xf32, #tpu.memory_space<vmem>>, vector<1x16xf32>,
        %parallel_loop3A_198 = vector.shape_cast %parallel_loop3A_197 : vector<1x16xf32> to vector<16xf32>
        %parallel_loop3A_199 = arith.mulf %parallel_loop3A_198, %parallel_loop3A_159 : vector<16xf32>
        %parallel_loop3A_200 = arith.constant 16 : i32
        %parallel_loop3A_201 = arith.muli %parallel_loop3A_154, %parallel_loop3A_200 : i32
        %parallel_loop3A_202 = arith.constant 2 : i32
        %parallel_loop3A_203 = arith.index_cast %parallel_loop3A_202 : i32 to index
        %parallel_loop3A_204 = arith.index_cast %parallel_loop3A_201 : i32 to index
        %parallel_loop3A_205 = tpu.vector_load %arg7[%parallel_loop3A_203, %parallel_loop3A_204] {strides = array<i32>} : memref<4x4096xf32, #tpu.memory_space<vmem>>, vector<1x16xf32>,
        %parallel_loop3A_206 = vector.shape_cast %parallel_loop3A_205 : vector<1x16xf32> to vector<16xf32>
        %parallel_loop3A_207 = vector.shape_cast %parallel_loop3A_199 : vector<16xf32> to vector<1x16xf32>
        tpu.vector_store %arg7[%parallel_loop3A_203, %parallel_loop3A_204], %parallel_loop3A_207 {strides = array<i32>} : memref<4x4096xf32, #tpu.memory_space<vmem>>, vector<1x16xf32>,
        %parallel_loop3A_208 = arith.constant 16 : i32
        %parallel_loop3A_209 = arith.muli %parallel_loop3A_154, %parallel_loop3A_208 : i32
        %parallel_loop3A_210 = arith.constant 3 : i32
        %parallel_loop3A_211 = arith.index_cast %parallel_loop3A_210 : i32 to index
        %parallel_loop3A_212 = arith.index_cast %parallel_loop3A_209 : i32 to index
        %parallel_loop3A_213 = tpu.vector_load %arg7[%parallel_loop3A_211, %parallel_loop3A_212] {strides = array<i32>} : memref<4x4096xf32, #tpu.memory_space<vmem>>, vector<1x16xf32>,
        %parallel_loop3A_214 = vector.shape_cast %parallel_loop3A_213 : vector<1x16xf32> to vector<16xf32>
        %parallel_loop3A_215 = arith.mulf %parallel_loop3A_214, %parallel_loop3A_159 : vector<16xf32>
        %parallel_loop3A_216 = arith.constant 16 : i32
        %parallel_loop3A_217 = arith.muli %parallel_loop3A_154, %parallel_loop3A_216 : i32
        %parallel_loop3A_218 = arith.constant 3 : i32
        %parallel_loop3A_219 = arith.index_cast %parallel_loop3A_218 : i32 to index
        %parallel_loop3A_220 = arith.index_cast %parallel_loop3A_217 : i32 to index
        %parallel_loop3A_221 = tpu.vector_load %arg7[%parallel_loop3A_219, %parallel_loop3A_220] {strides = array<i32>} : memref<4x4096xf32, #tpu.memory_space<vmem>>, vector<1x16xf32>,
        %parallel_loop3A_222 = vector.shape_cast %parallel_loop3A_221 : vector<1x16xf32> to vector<16xf32>
        %parallel_loop3A_223 = vector.shape_cast %parallel_loop3A_215 : vector<16xf32> to vector<1x16xf32>
        tpu.vector_store %arg7[%parallel_loop3A_219, %parallel_loop3A_220], %parallel_loop3A_223 {strides = array<i32>} : memref<4x4096xf32, #tpu.memory_space<vmem>>, vector<1x16xf32>,
      } {sc.loop_unroll_factor = 8 : i64, sc.parallel_access}
      %mul3A_90 = arith.constant 4 : i32
      %mul3A_91 = arith.muli %add3A_72, %mul3A_90 : i32
      %add3A_92 = arith.addi %mul3A_2, %mul3A_91 : i32
      %dma_start3A_93 = arith.constant 0 : i32
      %dma_start3A_94 = tpu.memref_slice %arg4[%add3A_92, %dma_start3A_93] : memref<4096x4096xf32, #tpu.memory_space<hbm>> -> memref<4x4096xf32, #tpu.memory_space<hbm>>
      %dma_start3A_95 = arith.constant 0 : i32
      %dma_start3A_96 = tpu.memref_slice %arg4[%add3A_92, %dma_start3A_95] : memref<4096x4096xf32, #tpu.memory_space<hbm>> -> memref<4x4096xf32, #tpu.memory_space<hbm>>
      tpu.enqueue_dma source(%arg7 : memref<4x4096xf32, #tpu.memory_space<vmem>>) target(%dma_start3A_96 : memref<4x4096xf32, #tpu.memory_space<hbm>>) target_semaphore(%arg15 : memref<!tpu.dma_semaphore, #tpu.memory_space<semaphore_mem>>)
      %mul3A_97 = arith.constant 4 : i32
      %mul3A_98 = arith.muli %scan3A_43, %mul3A_97 : i32
      %add3A_99 = arith.constant 2 : i32
      %add3A_100 = arith.addi %mul3A_98, %add3A_99 : i32
      %add3A_101 = arith.constant 2 : i32
      %add3A_102 = arith.addi %add3A_100, %add3A_101 : i32
      %lt3A_103 = arith.constant 32 : i32
      %lt3A_104 = arith.cmpi slt, %add3A_102, %lt3A_103 : i32
      %convert_element_type3A_105 = arith.extui %lt3A_104 : i1 to i32
      %cond3A_106 = arith.constant 0 : i32
      %cond3A_107 = arith.cmpi ne, %convert_element_type3A_105, %cond3A_106 : i32
      scf.if %cond3A_107 {
        %sub3A = arith.constant 2 : i32
        %sub3A_154 = arith.subi %add3A_100, %sub3A : i32
        %ge3A = arith.constant 0 : i32
        %ge3A_155 = arith.cmpi sge, %sub3A_154, %ge3A : i32
        %convert_element_type3A_156 = arith.extui %ge3A_155 : i1 to i32
        %cond3A_157 = arith.constant 0 : i32
        %cond3A_158 = arith.cmpi ne, %convert_element_type3A_156, %cond3A_157 : i32
        scf.if %cond3A_158 {
          %sub3A_168 = arith.constant 2 : i32
          %sub3A_169 = arith.subi %add3A_100, %sub3A_168 : i32
          %mul3A_170 = arith.constant 4 : i32
          %mul3A_171 = arith.muli %sub3A_169, %mul3A_170 : i32
          %add3A_172 = arith.addi %mul3A_2, %mul3A_171 : i32
          %dma_wait3A_173 = arith.constant 0 : i32
          %dma_wait3A_174 = tpu.memref_slice %arg4[%add3A_172, %dma_wait3A_173] : memref<4096x4096xf32, #tpu.memory_space<hbm>> -> memref<4x4096xf32, #tpu.memory_space<hbm>>
          %dma_wait3A_175 = arith.constant 0 : i32
          %dma_wait3A_176 = tpu.memref_slice %arg4[%add3A_172, %dma_wait3A_175] : memref<4096x4096xf32, #tpu.memory_space<hbm>> -> memref<4x4096xf32, #tpu.memory_space<hbm>>
          tpu.wait_dma2 semaphore(%arg14 : memref<!tpu.dma_semaphore, #tpu.memory_space<semaphore_mem>>) src(%arg6 : memref<4x4096xf32, #tpu.memory_space<vmem>>) dst(%dma_wait3A_176 : memref<4x4096xf32, #tpu.memory_space<hbm>>)
        } else {
        }
        %add3A_159 = arith.constant 2 : i32
        %add3A_160 = arith.addi %add3A_100, %add3A_159 : i32
        %mul3A_161 = arith.constant 4 : i32
        %mul3A_162 = arith.muli %add3A_160, %mul3A_161 : i32
        %add3A_163 = arith.addi %mul3A_2, %mul3A_162 : i32
        %dma_start3A_164 = arith.constant 0 : i32
        %dma_start3A_165 = tpu.memref_slice %arg2[%add3A_163, %dma_start3A_164] : memref<16384x4096xf32, #tpu.memory_space<hbm>> -> memref<4x4096xf32, #tpu.memory_space<hbm>>
        %dma_start3A_166 = arith.constant 0 : i32
        %dma_start3A_167 = tpu.memref_slice %arg2[%add3A_163, %dma_start3A_166] : memref<16384x4096xf32, #tpu.memory_space<hbm>> -> memref<4x4096xf32, #tpu.memory_space<hbm>>
        tpu.enqueue_dma source(%dma_start3A_167 : memref<4x4096xf32, #tpu.memory_space<hbm>>) target(%arg6 : memref<4x4096xf32, #tpu.memory_space<vmem>>) target_semaphore(%arg10 : memref<!tpu.dma_semaphore, #tpu.memory_space<semaphore_mem>>)
      } else {
      }
      %mul3A_108 = arith.constant 4 : i32
      %mul3A_109 = arith.muli %add3A_100, %mul3A_108 : i32
      %add3A_110 = arith.addi %mul3A_2, %mul3A_109 : i32
      %dma_wait3A_111 = arith.constant 0 : i32
      %dma_wait3A_112 = tpu.memref_slice %arg2[%add3A_110, %dma_wait3A_111] : memref<16384x4096xf32, #tpu.memory_space<hbm>> -> memref<4x4096xf32, #tpu.memory_space<hbm>>
      %dma_wait3A_113 = arith.constant 0 : i32
      %dma_wait3A_114 = tpu.memref_slice %arg2[%add3A_110, %dma_wait3A_113] : memref<16384x4096xf32, #tpu.memory_space<hbm>> -> memref<4x4096xf32, #tpu.memory_space<hbm>>
      tpu.wait_dma2 semaphore(%arg12 : memref<!tpu.dma_semaphore, #tpu.memory_space<semaphore_mem>>) src(%dma_wait3A_114 : memref<4x4096xf32, #tpu.memory_space<hbm>>) dst(%arg8 : memref<4x4096xf32, #tpu.memory_space<vmem>>)
      %parallel_loop3A_115 = arith.constant 0 : i32
      %parallel_loop3A_116 = arith.constant 256 : i32
      %parallel_loop3A_117 = arith.constant 1 : i32
      scf.for %parallel_loop3A_154 = %parallel_loop3A_115 to %parallel_loop3A_116 step %parallel_loop3A_117  : i32 {
        %parallel_loop3A_155 = arith.constant 16 : i32
        %parallel_loop3A_156 = arith.muli %parallel_loop3A_154, %parallel_loop3A_155 : i32
        %parallel_loop3A_157 = arith.index_cast %parallel_loop3A_156 : i32 to index
        %parallel_loop3A_158 = tpu.vector_load %arg5[%parallel_loop3A_157] {strides = array<i32>} : memref<4096xf32, #tpu.memory_space<vmem>>, vector<16xf32>,
        %parallel_loop3A_159 = vector.shape_cast %parallel_loop3A_158 : vector<16xf32> to vector<16xf32>
        %parallel_loop3A_160 = arith.constant 16 : i32
        %parallel_loop3A_161 = arith.muli %parallel_loop3A_154, %parallel_loop3A_160 : i32
        %parallel_loop3A_162 = arith.constant 0 : i32
        %parallel_loop3A_163 = arith.index_cast %parallel_loop3A_162 : i32 to index
        %parallel_loop3A_164 = arith.index_cast %parallel_loop3A_161 : i32 to index
        %parallel_loop3A_165 = tpu.vector_load %arg8[%parallel_loop3A_163, %parallel_loop3A_164] {strides = array<i32>} : memref<4x4096xf32, #tpu.memory_space<vmem>>, vector<1x16xf32>,
        %parallel_loop3A_166 = vector.shape_cast %parallel_loop3A_165 : vector<1x16xf32> to vector<16xf32>
        %parallel_loop3A_167 = arith.mulf %parallel_loop3A_166, %parallel_loop3A_159 : vector<16xf32>
        %parallel_loop3A_168 = arith.constant 16 : i32
        %parallel_loop3A_169 = arith.muli %parallel_loop3A_154, %parallel_loop3A_168 : i32
        %parallel_loop3A_170 = arith.constant 0 : i32
        %parallel_loop3A_171 = arith.index_cast %parallel_loop3A_170 : i32 to index
        %parallel_loop3A_172 = arith.index_cast %parallel_loop3A_169 : i32 to index
        %parallel_loop3A_173 = tpu.vector_load %arg8[%parallel_loop3A_171, %parallel_loop3A_172] {strides = array<i32>} : memref<4x4096xf32, #tpu.memory_space<vmem>>, vector<1x16xf32>,
        %parallel_loop3A_174 = vector.shape_cast %parallel_loop3A_173 : vector<1x16xf32> to vector<16xf32>
        %parallel_loop3A_175 = vector.shape_cast %parallel_loop3A_167 : vector<16xf32> to vector<1x16xf32>
        tpu.vector_store %arg8[%parallel_loop3A_171, %parallel_loop3A_172], %parallel_loop3A_175 {strides = array<i32>} : memref<4x4096xf32, #tpu.memory_space<vmem>>, vector<1x16xf32>,
        %parallel_loop3A_176 = arith.constant 16 : i32
        %parallel_loop3A_177 = arith.muli %parallel_loop3A_154, %parallel_loop3A_176 : i32
        %parallel_loop3A_178 = arith.constant 1 : i32
        %parallel_loop3A_179 = arith.index_cast %parallel_loop3A_178 : i32 to index
        %parallel_loop3A_180 = arith.index_cast %parallel_loop3A_177 : i32 to index
        %parallel_loop3A_181 = tpu.vector_load %arg8[%parallel_loop3A_179, %parallel_loop3A_180] {strides = array<i32>} : memref<4x4096xf32, #tpu.memory_space<vmem>>, vector<1x16xf32>,
        %parallel_loop3A_182 = vector.shape_cast %parallel_loop3A_181 : vector<1x16xf32> to vector<16xf32>
        %parallel_loop3A_183 = arith.mulf %parallel_loop3A_182, %parallel_loop3A_159 : vector<16xf32>
        %parallel_loop3A_184 = arith.constant 16 : i32
        %parallel_loop3A_185 = arith.muli %parallel_loop3A_154, %parallel_loop3A_184 : i32
        %parallel_loop3A_186 = arith.constant 1 : i32
        %parallel_loop3A_187 = arith.index_cast %parallel_loop3A_186 : i32 to index
        %parallel_loop3A_188 = arith.index_cast %parallel_loop3A_185 : i32 to index
        %parallel_loop3A_189 = tpu.vector_load %arg8[%parallel_loop3A_187, %parallel_loop3A_188] {strides = array<i32>} : memref<4x4096xf32, #tpu.memory_space<vmem>>, vector<1x16xf32>,
        %parallel_loop3A_190 = vector.shape_cast %parallel_loop3A_189 : vector<1x16xf32> to vector<16xf32>
        %parallel_loop3A_191 = vector.shape_cast %parallel_loop3A_183 : vector<16xf32> to vector<1x16xf32>
        tpu.vector_store %arg8[%parallel_loop3A_187, %parallel_loop3A_188], %parallel_loop3A_191 {strides = array<i32>} : memref<4x4096xf32, #tpu.memory_space<vmem>>, vector<1x16xf32>,
        %parallel_loop3A_192 = arith.constant 16 : i32
        %parallel_loop3A_193 = arith.muli %parallel_loop3A_154, %parallel_loop3A_192 : i32
        %parallel_loop3A_194 = arith.constant 2 : i32
        %parallel_loop3A_195 = arith.index_cast %parallel_loop3A_194 : i32 to index
        %parallel_loop3A_196 = arith.index_cast %parallel_loop3A_193 : i32 to index
        %parallel_loop3A_197 = tpu.vector_load %arg8[%parallel_loop3A_195, %parallel_loop3A_196] {strides = array<i32>} : memref<4x4096xf32, #tpu.memory_space<vmem>>, vector<1x16xf32>,
        %parallel_loop3A_198 = vector.shape_cast %parallel_loop3A_197 : vector<1x16xf32> to vector<16xf32>
        %parallel_loop3A_199 = arith.mulf %parallel_loop3A_198, %parallel_loop3A_159 : vector<16xf32>
        %parallel_loop3A_200 = arith.constant 16 : i32
        %parallel_loop3A_201 = arith.muli %parallel_loop3A_154, %parallel_loop3A_200 : i32
        %parallel_loop3A_202 = arith.constant 2 : i32
        %parallel_loop3A_203 = arith.index_cast %parallel_loop3A_202 : i32 to index
        %parallel_loop3A_204 = arith.index_cast %parallel_loop3A_201 : i32 to index
        %parallel_loop3A_205 = tpu.vector_load %arg8[%parallel_loop3A_203, %parallel_loop3A_204] {strides = array<i32>} : memref<4x4096xf32, #tpu.memory_space<vmem>>, vector<1x16xf32>,
        %parallel_loop3A_206 = vector.shape_cast %parallel_loop3A_205 : vector<1x16xf32> to vector<16xf32>
        %parallel_loop3A_207 = vector.shape_cast %parallel_loop3A_199 : vector<16xf32> to vector<1x16xf32>
        tpu.vector_store %arg8[%parallel_loop3A_203, %parallel_loop3A_204], %parallel_loop3A_207 {strides = array<i32>} : memref<4x4096xf32, #tpu.memory_space<vmem>>, vector<1x16xf32>,
        %parallel_loop3A_208 = arith.constant 16 : i32
        %parallel_loop3A_209 = arith.muli %parallel_loop3A_154, %parallel_loop3A_208 : i32
        %parallel_loop3A_210 = arith.constant 3 : i32
        %parallel_loop3A_211 = arith.index_cast %parallel_loop3A_210 : i32 to index
        %parallel_loop3A_212 = arith.index_cast %parallel_loop3A_209 : i32 to index
        %parallel_loop3A_213 = tpu.vector_load %arg8[%parallel_loop3A_211, %parallel_loop3A_212] {strides = array<i32>} : memref<4x4096xf32, #tpu.memory_space<vmem>>, vector<1x16xf32>,
        %parallel_loop3A_214 = vector.shape_cast %parallel_loop3A_213 : vector<1x16xf32> to vector<16xf32>
        %parallel_loop3A_215 = arith.mulf %parallel_loop3A_214, %parallel_loop3A_159 : vector<16xf32>
        %parallel_loop3A_216 = arith.constant 16 : i32
        %parallel_loop3A_217 = arith.muli %parallel_loop3A_154, %parallel_loop3A_216 : i32
        %parallel_loop3A_218 = arith.constant 3 : i32
        %parallel_loop3A_219 = arith.index_cast %parallel_loop3A_218 : i32 to index
        %parallel_loop3A_220 = arith.index_cast %parallel_loop3A_217 : i32 to index
        %parallel_loop3A_221 = tpu.vector_load %arg8[%parallel_loop3A_219, %parallel_loop3A_220] {strides = array<i32>} : memref<4x4096xf32, #tpu.memory_space<vmem>>, vector<1x16xf32>,
        %parallel_loop3A_222 = vector.shape_cast %parallel_loop3A_221 : vector<1x16xf32> to vector<16xf32>
        %parallel_loop3A_223 = vector.shape_cast %parallel_loop3A_215 : vector<16xf32> to vector<1x16xf32>
        tpu.vector_store %arg8[%parallel_loop3A_219, %parallel_loop3A_220], %parallel_loop3A_223 {strides = array<i32>} : memref<4x4096xf32, #tpu.memory_space<vmem>>, vector<1x16xf32>,
      } {sc.loop_unroll_factor = 8 : i64, sc.parallel_access}
      %mul3A_118 = arith.constant 4 : i32
      %mul3A_119 = arith.muli %add3A_100, %mul3A_118 : i32
      %add3A_120 = arith.addi %mul3A_2, %mul3A_119 : i32
      %dma_start3A_121 = arith.constant 0 : i32
      %dma_start3A_122 = tpu.memref_slice %arg4[%add3A_120, %dma_start3A_121] : memref<4096x4096xf32, #tpu.memory_space<hbm>> -> memref<4x4096xf32, #tpu.memory_space<hbm>>
      %dma_start3A_123 = arith.constant 0 : i32
      %dma_start3A_124 = tpu.memref_slice %arg4[%add3A_120, %dma_start3A_123] : memref<4096x4096xf32, #tpu.memory_space<hbm>> -> memref<4x4096xf32, #tpu.memory_space<hbm>>
      tpu.enqueue_dma source(%arg8 : memref<4x4096xf32, #tpu.memory_space<vmem>>) target(%dma_start3A_124 : memref<4x4096xf32, #tpu.memory_space<hbm>>) target_semaphore(%arg16 : memref<!tpu.dma_semaphore, #tpu.memory_space<semaphore_mem>>)
      %mul3A_125 = arith.constant 4 : i32
      %mul3A_126 = arith.muli %scan3A_43, %mul3A_125 : i32
      %add3A_127 = arith.constant 3 : i32
      %add3A_128 = arith.addi %mul3A_126, %add3A_127 : i32
      %add3A_129 = arith.constant 2 : i32
      %add3A_130 = arith.addi %add3A_128, %add3A_129 : i32
      %lt3A_131 = arith.constant 32 : i32
      %lt3A_132 = arith.cmpi slt, %add3A_130, %lt3A_131 : i32
      %convert_element_type3A_133 = arith.extui %lt3A_132 : i1 to i32
      %cond3A_134 = arith.constant 0 : i32
      %cond3A_135 = arith.cmpi ne, %convert_element_type3A_133, %cond3A_134 : i32
      scf.if %cond3A_135 {
        %sub3A = arith.constant 2 : i32
        %sub3A_154 = arith.subi %add3A_128, %sub3A : i32
        %ge3A = arith.constant 0 : i32
        %ge3A_155 = arith.cmpi sge, %sub3A_154, %ge3A : i32
        %convert_element_type3A_156 = arith.extui %ge3A_155 : i1 to i32
        %cond3A_157 = arith.constant 0 : i32
        %cond3A_158 = arith.cmpi ne, %convert_element_type3A_156, %cond3A_157 : i32
        scf.if %cond3A_158 {
          %sub3A_168 = arith.constant 2 : i32
          %sub3A_169 = arith.subi %add3A_128, %sub3A_168 : i32
          %mul3A_170 = arith.constant 4 : i32
          %mul3A_171 = arith.muli %sub3A_169, %mul3A_170 : i32
          %add3A_172 = arith.addi %mul3A_2, %mul3A_171 : i32
          %dma_wait3A_173 = arith.constant 0 : i32
          %dma_wait3A_174 = tpu.memref_slice %arg4[%add3A_172, %dma_wait3A_173] : memref<4096x4096xf32, #tpu.memory_space<hbm>> -> memref<4x4096xf32, #tpu.memory_space<hbm>>
          %dma_wait3A_175 = arith.constant 0 : i32
          %dma_wait3A_176 = tpu.memref_slice %arg4[%add3A_172, %dma_wait3A_175] : memref<4096x4096xf32, #tpu.memory_space<hbm>> -> memref<4x4096xf32, #tpu.memory_space<hbm>>
          tpu.wait_dma2 semaphore(%arg15 : memref<!tpu.dma_semaphore, #tpu.memory_space<semaphore_mem>>) src(%arg7 : memref<4x4096xf32, #tpu.memory_space<vmem>>) dst(%dma_wait3A_176 : memref<4x4096xf32, #tpu.memory_space<hbm>>)
        } else {
        }
        %add3A_159 = arith.constant 2 : i32
        %add3A_160 = arith.addi %add3A_128, %add3A_159 : i32
        %mul3A_161 = arith.constant 4 : i32
        %mul3A_162 = arith.muli %add3A_160, %mul3A_161 : i32
        %add3A_163 = arith.addi %mul3A_2, %mul3A_162 : i32
        %dma_start3A_164 = arith.constant 0 : i32
        %dma_start3A_165 = tpu.memref_slice %arg2[%add3A_163, %dma_start3A_164] : memref<16384x4096xf32, #tpu.memory_space<hbm>> -> memref<4x4096xf32, #tpu.memory_space<hbm>>
        %dma_start3A_166 = arith.constant 0 : i32
        %dma_start3A_167 = tpu.memref_slice %arg2[%add3A_163, %dma_start3A_166] : memref<16384x4096xf32, #tpu.memory_space<hbm>> -> memref<4x4096xf32, #tpu.memory_space<hbm>>
        tpu.enqueue_dma source(%dma_start3A_167 : memref<4x4096xf32, #tpu.memory_space<hbm>>) target(%arg7 : memref<4x4096xf32, #tpu.memory_space<vmem>>) target_semaphore(%arg11 : memref<!tpu.dma_semaphore, #tpu.memory_space<semaphore_mem>>)
      } else {
      }
      %mul3A_136 = arith.constant 4 : i32
      %mul3A_137 = arith.muli %add3A_128, %mul3A_136 : i32
      %add3A_138 = arith.addi %mul3A_2, %mul3A_137 : i32
      %dma_wait3A_139 = arith.constant 0 : i32
      %dma_wait3A_140 = tpu.memref_slice %arg2[%add3A_138, %dma_wait3A_139] : memref<16384x4096xf32, #tpu.memory_space<hbm>> -> memref<4x4096xf32, #tpu.memory_space<hbm>>
      %dma_wait3A_141 = arith.constant 0 : i32
      %dma_wait3A_142 = tpu.memref_slice %arg2[%add3A_138, %dma_wait3A_141] : memref<16384x4096xf32, #tpu.memory_space<hbm>> -> memref<4x4096xf32, #tpu.memory_space<hbm>>
      tpu.wait_dma2 semaphore(%arg13 : memref<!tpu.dma_semaphore, #tpu.memory_space<semaphore_mem>>) src(%dma_wait3A_142 : memref<4x4096xf32, #tpu.memory_space<hbm>>) dst(%arg9 : memref<4x4096xf32, #tpu.memory_space<vmem>>)
      %parallel_loop3A_143 = arith.constant 0 : i32
      %parallel_loop3A_144 = arith.constant 256 : i32
      %parallel_loop3A_145 = arith.constant 1 : i32
      scf.for %parallel_loop3A_154 = %parallel_loop3A_143 to %parallel_loop3A_144 step %parallel_loop3A_145  : i32 {
        %parallel_loop3A_155 = arith.constant 16 : i32
        %parallel_loop3A_156 = arith.muli %parallel_loop3A_154, %parallel_loop3A_155 : i32
        %parallel_loop3A_157 = arith.index_cast %parallel_loop3A_156 : i32 to index
        %parallel_loop3A_158 = tpu.vector_load %arg5[%parallel_loop3A_157] {strides = array<i32>} : memref<4096xf32, #tpu.memory_space<vmem>>, vector<16xf32>,
        %parallel_loop3A_159 = vector.shape_cast %parallel_loop3A_158 : vector<16xf32> to vector<16xf32>
        %parallel_loop3A_160 = arith.constant 16 : i32
        %parallel_loop3A_161 = arith.muli %parallel_loop3A_154, %parallel_loop3A_160 : i32
        %parallel_loop3A_162 = arith.constant 0 : i32
        %parallel_loop3A_163 = arith.index_cast %parallel_loop3A_162 : i32 to index
        %parallel_loop3A_164 = arith.index_cast %parallel_loop3A_161 : i32 to index
        %parallel_loop3A_165 = tpu.vector_load %arg9[%parallel_loop3A_163, %parallel_loop3A_164] {strides = array<i32>} : memref<4x4096xf32, #tpu.memory_space<vmem>>, vector<1x16xf32>,
        %parallel_loop3A_166 = vector.shape_cast %parallel_loop3A_165 : vector<1x16xf32> to vector<16xf32>
        %parallel_loop3A_167 = arith.mulf %parallel_loop3A_166, %parallel_loop3A_159 : vector<16xf32>
        %parallel_loop3A_168 = arith.constant 16 : i32
        %parallel_loop3A_169 = arith.muli %parallel_loop3A_154, %parallel_loop3A_168 : i32
        %parallel_loop3A_170 = arith.constant 0 : i32
        %parallel_loop3A_171 = arith.index_cast %parallel_loop3A_170 : i32 to index
        %parallel_loop3A_172 = arith.index_cast %parallel_loop3A_169 : i32 to index
        %parallel_loop3A_173 = tpu.vector_load %arg9[%parallel_loop3A_171, %parallel_loop3A_172] {strides = array<i32>} : memref<4x4096xf32, #tpu.memory_space<vmem>>, vector<1x16xf32>,
        %parallel_loop3A_174 = vector.shape_cast %parallel_loop3A_173 : vector<1x16xf32> to vector<16xf32>
        %parallel_loop3A_175 = vector.shape_cast %parallel_loop3A_167 : vector<16xf32> to vector<1x16xf32>
        tpu.vector_store %arg9[%parallel_loop3A_171, %parallel_loop3A_172], %parallel_loop3A_175 {strides = array<i32>} : memref<4x4096xf32, #tpu.memory_space<vmem>>, vector<1x16xf32>,
        %parallel_loop3A_176 = arith.constant 16 : i32
        %parallel_loop3A_177 = arith.muli %parallel_loop3A_154, %parallel_loop3A_176 : i32
        %parallel_loop3A_178 = arith.constant 1 : i32
        %parallel_loop3A_179 = arith.index_cast %parallel_loop3A_178 : i32 to index
        %parallel_loop3A_180 = arith.index_cast %parallel_loop3A_177 : i32 to index
        %parallel_loop3A_181 = tpu.vector_load %arg9[%parallel_loop3A_179, %parallel_loop3A_180] {strides = array<i32>} : memref<4x4096xf32, #tpu.memory_space<vmem>>, vector<1x16xf32>,
        %parallel_loop3A_182 = vector.shape_cast %parallel_loop3A_181 : vector<1x16xf32> to vector<16xf32>
        %parallel_loop3A_183 = arith.mulf %parallel_loop3A_182, %parallel_loop3A_159 : vector<16xf32>
        %parallel_loop3A_184 = arith.constant 16 : i32
        %parallel_loop3A_185 = arith.muli %parallel_loop3A_154, %parallel_loop3A_184 : i32
        %parallel_loop3A_186 = arith.constant 1 : i32
        %parallel_loop3A_187 = arith.index_cast %parallel_loop3A_186 : i32 to index
        %parallel_loop3A_188 = arith.index_cast %parallel_loop3A_185 : i32 to index
        %parallel_loop3A_189 = tpu.vector_load %arg9[%parallel_loop3A_187, %parallel_loop3A_188] {strides = array<i32>} : memref<4x4096xf32, #tpu.memory_space<vmem>>, vector<1x16xf32>,
        %parallel_loop3A_190 = vector.shape_cast %parallel_loop3A_189 : vector<1x16xf32> to vector<16xf32>
        %parallel_loop3A_191 = vector.shape_cast %parallel_loop3A_183 : vector<16xf32> to vector<1x16xf32>
        tpu.vector_store %arg9[%parallel_loop3A_187, %parallel_loop3A_188], %parallel_loop3A_191 {strides = array<i32>} : memref<4x4096xf32, #tpu.memory_space<vmem>>, vector<1x16xf32>,
        %parallel_loop3A_192 = arith.constant 16 : i32
        %parallel_loop3A_193 = arith.muli %parallel_loop3A_154, %parallel_loop3A_192 : i32
        %parallel_loop3A_194 = arith.constant 2 : i32
        %parallel_loop3A_195 = arith.index_cast %parallel_loop3A_194 : i32 to index
        %parallel_loop3A_196 = arith.index_cast %parallel_loop3A_193 : i32 to index
        %parallel_loop3A_197 = tpu.vector_load %arg9[%parallel_loop3A_195, %parallel_loop3A_196] {strides = array<i32>} : memref<4x4096xf32, #tpu.memory_space<vmem>>, vector<1x16xf32>,
        %parallel_loop3A_198 = vector.shape_cast %parallel_loop3A_197 : vector<1x16xf32> to vector<16xf32>
        %parallel_loop3A_199 = arith.mulf %parallel_loop3A_198, %parallel_loop3A_159 : vector<16xf32>
        %parallel_loop3A_200 = arith.constant 16 : i32
        %parallel_loop3A_201 = arith.muli %parallel_loop3A_154, %parallel_loop3A_200 : i32
        %parallel_loop3A_202 = arith.constant 2 : i32
        %parallel_loop3A_203 = arith.index_cast %parallel_loop3A_202 : i32 to index
        %parallel_loop3A_204 = arith.index_cast %parallel_loop3A_201 : i32 to index
        %parallel_loop3A_205 = tpu.vector_load %arg9[%parallel_loop3A_203, %parallel_loop3A_204] {strides = array<i32>} : memref<4x4096xf32, #tpu.memory_space<vmem>>, vector<1x16xf32>,
        %parallel_loop3A_206 = vector.shape_cast %parallel_loop3A_205 : vector<1x16xf32> to vector<16xf32>
        %parallel_loop3A_207 = vector.shape_cast %parallel_loop3A_199 : vector<16xf32> to vector<1x16xf32>
        tpu.vector_store %arg9[%parallel_loop3A_203, %parallel_loop3A_204], %parallel_loop3A_207 {strides = array<i32>} : memref<4x4096xf32, #tpu.memory_space<vmem>>, vector<1x16xf32>,
        %parallel_loop3A_208 = arith.constant 16 : i32
        %parallel_loop3A_209 = arith.muli %parallel_loop3A_154, %parallel_loop3A_208 : i32
        %parallel_loop3A_210 = arith.constant 3 : i32
        %parallel_loop3A_211 = arith.index_cast %parallel_loop3A_210 : i32 to index
        %parallel_loop3A_212 = arith.index_cast %parallel_loop3A_209 : i32 to index
        %parallel_loop3A_213 = tpu.vector_load %arg9[%parallel_loop3A_211, %parallel_loop3A_212] {strides = array<i32>} : memref<4x4096xf32, #tpu.memory_space<vmem>>, vector<1x16xf32>,
        %parallel_loop3A_214 = vector.shape_cast %parallel_loop3A_213 : vector<1x16xf32> to vector<16xf32>
        %parallel_loop3A_215 = arith.mulf %parallel_loop3A_214, %parallel_loop3A_159 : vector<16xf32>
        %parallel_loop3A_216 = arith.constant 16 : i32
        %parallel_loop3A_217 = arith.muli %parallel_loop3A_154, %parallel_loop3A_216 : i32
        %parallel_loop3A_218 = arith.constant 3 : i32
        %parallel_loop3A_219 = arith.index_cast %parallel_loop3A_218 : i32 to index
        %parallel_loop3A_220 = arith.index_cast %parallel_loop3A_217 : i32 to index
        %parallel_loop3A_221 = tpu.vector_load %arg9[%parallel_loop3A_219, %parallel_loop3A_220] {strides = array<i32>} : memref<4x4096xf32, #tpu.memory_space<vmem>>, vector<1x16xf32>,
        %parallel_loop3A_222 = vector.shape_cast %parallel_loop3A_221 : vector<1x16xf32> to vector<16xf32>
        %parallel_loop3A_223 = vector.shape_cast %parallel_loop3A_215 : vector<16xf32> to vector<1x16xf32>
        tpu.vector_store %arg9[%parallel_loop3A_219, %parallel_loop3A_220], %parallel_loop3A_223 {strides = array<i32>} : memref<4x4096xf32, #tpu.memory_space<vmem>>, vector<1x16xf32>,
      } {sc.loop_unroll_factor = 8 : i64, sc.parallel_access}
      %mul3A_146 = arith.constant 4 : i32
      %mul3A_147 = arith.muli %add3A_128, %mul3A_146 : i32
      %add3A_148 = arith.addi %mul3A_2, %mul3A_147 : i32
      %dma_start3A_149 = arith.constant 0 : i32
      %dma_start3A_150 = tpu.memref_slice %arg4[%add3A_148, %dma_start3A_149] : memref<4096x4096xf32, #tpu.memory_space<hbm>> -> memref<4x4096xf32, #tpu.memory_space<hbm>>
      %dma_start3A_151 = arith.constant 0 : i32
      %dma_start3A_152 = tpu.memref_slice %arg4[%add3A_148, %dma_start3A_151] : memref<4096x4096xf32, #tpu.memory_space<hbm>> -> memref<4x4096xf32, #tpu.memory_space<hbm>>
      tpu.enqueue_dma source(%arg9 : memref<4x4096xf32, #tpu.memory_space<vmem>>) target(%dma_start3A_152 : memref<4x4096xf32, #tpu.memory_space<hbm>>) target_semaphore(%arg17 : memref<!tpu.dma_semaphore, #tpu.memory_space<semaphore_mem>>)
      %scan3A_153 = arith.constant 0 : i32
      scf.yield %scan3A_153 : i32
    }
    %scan3A_19 = arith.constant 8 : i32
    %add3A_20 = arith.constant 112 : i32
    %add3A_21 = arith.addi %mul3A_2, %add3A_20 : i32
    %dma_wait3A = arith.constant 0 : i32
    %dma_wait3A_22 = tpu.memref_slice %arg4[%add3A_21, %dma_wait3A] : memref<4096x4096xf32, #tpu.memory_space<hbm>> -> memref<4x4096xf32, #tpu.memory_space<hbm>>
    %dma_wait3A_23 = arith.constant 0 : i32
    %dma_wait3A_24 = tpu.memref_slice %arg4[%add3A_21, %dma_wait3A_23] : memref<4096x4096xf32, #tpu.memory_space<hbm>> -> memref<4x4096xf32, #tpu.memory_space<hbm>>
    tpu.wait_dma2 semaphore(%arg14 : memref<!tpu.dma_semaphore, #tpu.memory_space<semaphore_mem>>) src(%arg6 : memref<4x4096xf32, #tpu.memory_space<vmem>>) dst(%dma_wait3A_24 : memref<4x4096xf32, #tpu.memory_space<hbm>>)
    %add3A_25 = arith.constant 116 : i32
    %add3A_26 = arith.addi %mul3A_2, %add3A_25 : i32
    %dma_wait3A_27 = arith.constant 0 : i32
    %dma_wait3A_28 = tpu.memref_slice %arg4[%add3A_26, %dma_wait3A_27] : memref<4096x4096xf32, #tpu.memory_space<hbm>> -> memref<4x4096xf32, #tpu.memory_space<hbm>>
    %dma_wait3A_29 = arith.constant 0 : i32
    %dma_wait3A_30 = tpu.memref_slice %arg4[%add3A_26, %dma_wait3A_29] : memref<4096x4096xf32, #tpu.memory_space<hbm>> -> memref<4x4096xf32, #tpu.memory_space<hbm>>
    tpu.wait_dma2 semaphore(%arg15 : memref<!tpu.dma_semaphore, #tpu.memory_space<semaphore_mem>>) src(%arg7 : memref<4x4096xf32, #tpu.memory_space<vmem>>) dst(%dma_wait3A_30 : memref<4x4096xf32, #tpu.memory_space<hbm>>)
    %add3A_31 = arith.constant 120 : i32
    %add3A_32 = arith.addi %mul3A_2, %add3A_31 : i32
    %dma_wait3A_33 = arith.constant 0 : i32
    %dma_wait3A_34 = tpu.memref_slice %arg4[%add3A_32, %dma_wait3A_33] : memref<4096x4096xf32, #tpu.memory_space<hbm>> -> memref<4x4096xf32, #tpu.memory_space<hbm>>
    %dma_wait3A_35 = arith.constant 0 : i32
    %dma_wait3A_36 = tpu.memref_slice %arg4[%add3A_32, %dma_wait3A_35] : memref<4096x4096xf32, #tpu.memory_space<hbm>> -> memref<4x4096xf32, #tpu.memory_space<hbm>>
    tpu.wait_dma2 semaphore(%arg16 : memref<!tpu.dma_semaphore, #tpu.memory_space<semaphore_mem>>) src(%arg8 : memref<4x4096xf32, #tpu.memory_space<vmem>>) dst(%dma_wait3A_36 : memref<4x4096xf32, #tpu.memory_space<hbm>>)
    %add3A_37 = arith.constant 124 : i32
    %add3A_38 = arith.addi %mul3A_2, %add3A_37 : i32
    %dma_wait3A_39 = arith.constant 0 : i32
    %dma_wait3A_40 = tpu.memref_slice %arg4[%add3A_38, %dma_wait3A_39] : memref<4096x4096xf32, #tpu.memory_space<hbm>> -> memref<4x4096xf32, #tpu.memory_space<hbm>>
    %dma_wait3A_41 = arith.constant 0 : i32
    %dma_wait3A_42 = tpu.memref_slice %arg4[%add3A_38, %dma_wait3A_41] : memref<4096x4096xf32, #tpu.memory_space<hbm>> -> memref<4x4096xf32, #tpu.memory_space<hbm>>
    tpu.wait_dma2 semaphore(%arg17 : memref<!tpu.dma_semaphore, #tpu.memory_space<semaphore_mem>>) src(%arg9 : memref<4x4096xf32, #tpu.memory_space<vmem>>) dst(%dma_wait3A_42 : memref<4x4096xf32, #tpu.memory_space<hbm>>)
    return
  }
}

module attributes {stable_mosaic.version = 14 : i64} {
  func.func @_tc_body(%arg0: i32, %arg1: memref<1x4096xf32, #tpu.memory_space<vmem>>, %arg2: memref<512x4096xf32, #tpu.memory_space<vmem>>, %arg3: memref<512x4096xf32, #tpu.memory_space<vmem>>) attributes {dimension_semantics = [#tpu.dimension_semantics<parallel>], iteration_bounds = array<i64: 24>, scalar_prefetch = 0 : i64, scratch_operands = 0 : i64, tpu.core_type = #tpu.core_type<tc>, window_params = [{pipeline_mode = #tpu.pipeline_mode<synchronous>, transform_indices = @transform_0, window_bounds = array<i64: 1, 4096>}, {transform_indices = @transform_1, window_bounds = array<i64: 512, 4096>}, {transform_indices = @transform_2, window_bounds = array<i64: 512, 4096>}]} {
    %get3A = arith.constant 0 : index
    %get3A_0 = arith.constant 0 : index
    %get3A_1 = vector.load %arg2[%get3A, %get3A_0] : memref<512x4096xf32, #tpu.memory_space<vmem>>, vector<512x4096xf32>
    %get3A_2 = arith.constant 0 : index
    %get3A_3 = arith.constant 0 : index
    %get3A_4 = vector.load %arg1[%get3A_2, %get3A_3] : memref<1x4096xf32, #tpu.memory_space<vmem>>, vector<1x4096xf32>
    %mul3A = vector.broadcast %get3A_4 : vector<1x4096xf32> to vector<512x4096xf32>
    %mul3A_5 = arith.mulf %get3A_1, %mul3A : vector<512x4096xf32>
    %swap3A = arith.constant 0 : index
    %swap3A_6 = arith.constant 0 : index
    %swap3A_7 = vector.load %arg3[%swap3A, %swap3A_6] : memref<512x4096xf32, #tpu.memory_space<vmem>>, vector<512x4096xf32>
    tpu.vector_store %arg3[%swap3A, %swap3A_6], %mul3A_5 {strides = array<i32>} : memref<512x4096xf32, #tpu.memory_space<vmem>>, vector<512x4096xf32>,
    return
  }
  func.func @transform_0(%arg0: i32) -> (i32, i32) {
    %c0_i32 = arith.constant 0 : i32
    %c0_i32_0 = arith.constant 0 : i32
    %c0_i32_1 = arith.constant 0 : i32
    return %c0_i32, %c0_i32_0 : i32, i32
  }
  func.func @transform_1(%arg0: i32) -> (i32, i32) {
    %add3A = arith.constant 8 : i32
    %add3A_0 = arith.addi %add3A, %arg0 : i32
    %c0_i32 = arith.constant 0 : i32
    %c0_i32_1 = arith.constant 0 : i32
    return %add3A_0, %c0_i32 : i32, i32
  }
  func.func @transform_2(%arg0: i32) -> (i32, i32) {
    %add3A = arith.constant 8 : i32
    %add3A_0 = arith.addi %add3A, %arg0 : i32
    %c0_i32 = arith.constant 0 : i32
    %c0_i32_1 = arith.constant 0 : i32
    return %add3A_0, %c0_i32 : i32, i32
  }
}

</mosaic_0001>

<sc_bundles>
// kernel: kernel.4.cloned.1.call-start
scs
__scs_entry_jumppad:
0x0: {  	(pc) =	sbr.rel $0x88, $3  }
0x1: {  	(tag) =	ssettag $0x0;
	lr =	simm.s32 $0x1  }
0x2: {  	[smem:$0x3F9F] =	sst lr;
	_ =	strace $0xD0000000  }
0x3: {  	_ = 	snop  }
0x4: {  	_ = 	snop  }
0x5: {  	_ = 	snop  }
0x6: {  	_ = 	snop  }
0x7: {  	_ = 	snop  }
__scs_overlays_trampoline_lowered:
0x8: {  	[smem:$0x3FAE] =	sst s0  }
0x9: {  	[smem:$0x3FAF] =	sst s1  }
0xa: {  	[smem:$0x3FB0] =	sst s2  }
0xb: {  	[smem:$0x3FB1] =	sst s3  }
0xc: {  	[smem:$0x3FB2] =	sst s4  }
0xd: {  	[smem:$0x3FB3] =	sst s5  }
0xe: {  	[smem:$0x3FB4] =	sst s6  }
0xf: {  	[smem:$0x3FB5] =	sst s7  }
0x10: {  	[smem:$0x3FB6] =	sst s8  }
0x11: {  	[smem:$0x3FB7] =	sst s9;
	s0 =	simm.s32 @!p0 $0x0  }
0x12: {  	s1 =	sld [smem:$0x3F9D];
	s0 =	simm.s32 @p0 $0x1  }
0x13: {  	[smem:$0x3FB8] =	sst s0;
	s0 =	simm.s32 @!p1 $0x0  }
0x14: {  	s2 =	sld [smem:$0x3F9C];
	s0 =	simm.s32 @p1 $0x1  }
0x15: {  	[smem:$0x3FB9] =	sst s0;
	s0 =	simm.s32 @!p2 $0x0  }
0x16: {  	s3 =	sld [smem:$0x3FDB];
	s0 =	simm.s32 @p2 $0x1  }
0x17: {  	s4 =	simm.s32 $0x1BF5;
	[smem:$0x3FBB] =	sst s0  }
0x18: {  	s0 =	sld [smem:$0x3F9E];
	_ =	swait.ge [sflag:s4], $0x0  }
0x19: {  	s7 =	sld [smem:$0x3F9F]  }
0x1a: {  	s8 =	sadd.s32 $0xFFFFE003, lr  }
0x1b: {  	s9 =	sadd.s32 $0xFFFFFEF7, lr;
	s5 =	simm.s32 $0xFFFFFFFF;
	p2 =	slt.u32 s8, $0xFFFFF086  }
0x1c: {  	p1 =	slt.u32 s9, $0xF7A;
	s5 =	simm.s32 @!p2 $0x0  }
0x1d: {  	s5 =	simm.s32 @p1 $0x1;
	p0 =	seq.s32 s7, s2  }
0x1e: {  	s7 =	smul.u32 @!p0 $0xF7A, s2;
	p2 =	seq.s32 @!p0 s5, $0x0  }
0x1f: {  	s9 =	smul.u32 $0xF7A, s1;
	s8 =	simm.s32 @!p0 $0x1BF5;
	p2 =	por !p2, p0  }
0x20: {  	[sflag:s8] =	ssyncset.s32 @!p0 $0xFFFFF086;
	s6 =	sadd.s32 @!p0 s3, s7;
	s7 =	simm.s32 @!p0 $0x108  }
0x21: {  	s3 =	sadd.s32 s3, s9;
	s6 =	sadd.s32 @!p0 $0x88, s6;
	s7 =	simm.s32 @p2 $0x1082  }
0x22: {  	[simem:s7], [sflag:s8] =	dma.local @!p0 [hbm:s6], $0xF7A  }
0x23: {  	s9 =	sor.u32 $0xD0000000, s2;
	s6 =	simm.s32 $0x108;
	_ =	swait.ge @!p0 [sflag:s8], $0x0  }
0x24: {  	s3 =	sadd.s32 $0x88, s3;
	s6 =	simm.s32 @!p1 $0x1082;
	[sflag:s4] =	ssyncset.s32 $0xFFFFF086  }
0x25: {  	[simem:s6], [sflag:s4] =	dma.local [hbm:s3], $0xF7A  }
0x26: {  	[smem:$0x3F9F] =	sst s1;
	(tag) =	ssettag s2;
	_ =	strace s9  }
0x27: {  	s1 =	sld [smem:$0x3FAF]  }
0x28: {  	s2 =	sld [smem:$0x3FB0]  }
0x29: {  	s4 =	sld [smem:$0x3FB2]  }
0x2a: {  	p0 =	seq.s32 s5, $0x0;
	s5 =	sld [smem:$0x3FB3]  }
0x2b: {  	s6 =	sld [smem:$0x3FB4]  }
0x2c: {  	s7 =	sld [smem:$0x3FB5]  }
0x2d: {  	s3 =	simm.s32 $0x108;
	s8 =	sld [smem:$0x3FB6]  }
0x2e: {  	s3 =	simm.s32 @!p0 $0x1082;
	s9 =	sld [smem:$0x3FB7]  }
0x2f: {  	lr =	sadd.s32 s0, s3;
	s0 =	sld [smem:$0x3FAE]  }
0x30: {  	s3 =	sld [smem:$0x3FB1]  }
0x31: {  	[smem:$0x3FBA] =	sst s10  }
0x32: {  	s10 =	sld [smem:$0x3FB8];
	_ =	sdelay $0x3  }
0x33: {  	p0 =	seq.s32 s10, $0x1;
	s10 =	sld [smem:$0x3FBA];
	_ =	sdelay $0x3  }
0x34: {  	[smem:$0x3FBA] =	sst s10  }
0x35: {  	s10 =	sld [smem:$0x3FB9];
	_ =	sdelay $0x3  }
0x36: {  	p1 =	seq.s32 s10, $0x1;
	s10 =	sld [smem:$0x3FBA];
	_ =	sdelay $0x3  }
0x37: {  	[smem:$0x3FBA] =	sst s10  }
0x38: {  	s10 =	sld [smem:$0x3FBB]  }
0x39: {  	_ = 	snop;
	(pc) =	sbr.ind lr, $3  }
0x3a: {  	_ = 	snop  }
0x3b: {  	_ = 	snop  }
0x3c: {  	p2 =	seq.s32 s10, $0x1;
	s10 =	sld [smem:$0x3FBA]  }
0x3d: {  	_ =	shalt  }
0x3e: {  	_ =	shalt  }
0x3f: {  	_ =	shalt  }
0x40: {  	_ =	shalt  }
0x41: {  	_ =	shalt  }
0x42: {  	_ =	shalt  }
0x43: {  	_ =	shalt  }
0x44: {  	_ =	shalt  }
0x45: {  	_ =	shalt  }
0x46: {  	_ =	shalt  }
0x47: {  	_ =	shalt  }
0x48: {  	_ =	shalt  }
0x49: {  	_ =	shalt  }
0x4a: {  	_ =	shalt  }
0x4b: {  	_ =	shalt  }
0x4c: {  	_ =	shalt  }
0x4d: {  	_ =	shalt  }
0x4e: {  	_ =	shalt  }
0x4f: {  	_ =	shalt  }
0x50: {  	_ =	shalt  }
0x51: {  	_ =	shalt  }
0x52: {  	_ =	shalt  }
0x53: {  	_ =	shalt  }
0x54: {  	_ =	shalt  }
0x55: {  	_ =	shalt  }
0x56: {  	_ =	shalt  }
0x57: {  	_ =	shalt  }
0x58: {  	_ =	shalt  }
0x59: {  	_ =	shalt  }
0x5a: {  	_ =	shalt  }
0x5b: {  	_ =	shalt  }
0x5c: {  	_ =	shalt  }
0x5d: {  	_ =	shalt  }
0x5e: {  	_ =	shalt  }
0x5f: {  	_ =	shalt  }
0x60: {  	_ =	shalt  }
0x61: {  	_ =	shalt  }
0x62: {  	_ =	shalt  }
0x63: {  	_ =	shalt  }
0x64: {  	_ =	shalt  }
0x65: {  	_ =	shalt  }
0x66: {  	_ =	shalt  }
0x67: {  	_ =	shalt  }
0x68: {  	_ =	shalt  }
0x69: {  	_ =	shalt  }
0x6a: {  	_ =	shalt  }
0x6b: {  	_ =	shalt  }
0x6c: {  	_ =	shalt  }
0x6d: {  	_ =	shalt  }
0x6e: {  	_ =	shalt  }
0x6f: {  	_ =	shalt  }
0x70: {  	_ =	shalt  }
0x71: {  	_ =	shalt  }
0x72: {  	_ =	shalt  }
0x73: {  	_ =	shalt  }
0x74: {  	_ =	shalt  }
0x75: {  	_ =	shalt  }
0x76: {  	_ =	shalt  }
0x77: {  	_ =	shalt  }
0x78: {  	_ =	shalt  }
0x79: {  	_ =	shalt  }
0x7a: {  	_ =	shalt  }
0x7b: {  	_ =	shalt  }
0x7c: {  	_ =	shalt  }
0x7d: {  	_ =	shalt  }
0x7e: {  	_ =	shalt  }
0x7f: {  	_ =	shalt  }
0x80: {  	_ =	shalt  }
0x81: {  	_ =	shalt  }
0x82: {  	_ =	shalt  }
0x83: {  	_ =	shalt  }
0x84: {  	_ =	shalt  }
0x85: {  	_ =	shalt  }
0x86: {  	_ =	shalt  }
0x87: {  	_ =	shalt  }
.Lfunc_end0:
.L_simem_size_0:
called_computation_lowered:
.L_overlay_start_0:
0x88: {  	s2 =	sld [smem:$0x3FD9]  }
0x89: {  	s3 =	sld [smem:$0x3FFE];
	_ =	sdelay $0x1  }
0x8a: {  	s1 =	srdreg.scid  }
0x8b: {  	s0 =	sand.u32 $0x1, s1  }
0x8c: {  	s17 =	sshll.u32 s0, $0xA;
	s2 =	sadd.s32 s3, s2  }
0x8d: {  	s2 =	sadd.s32 s2, s17  }
0x8e: {  	[smem:$0x3FC6] =	sst s2  }
0x8f: {  	_ = 	snop  }
0x90: {  	s2 =	sld [smem:$0x3FC9]  }
0x91: {  	s18 =	sld [smem:$0x3FC8];
	(tm) =	ssettm $0x1  }
0x92: {  	s4 =	sld [smem:$0x3FFB];
	_ =	sdelay $0x3  }
0x93: {  	_ =	strace s4  }
0x94: {  	s4 =	sld [smem:$0x3FFC];
	_ =	sdelay $0x3  }
0x95: {  	_ =	strace s4  }
0x96: {  	s4 =	sld [smem:$0x3FFD];
	_ =	sdelay $0x3  }
0x97: {  	_ =	strace s4  }
0x98: {  	_ =	strace $0x8FFFFFFF  }
0x99: {  	s19 =	sld [smem:$0x3FDB];
	_ =	sdelay $0x1  }
0x9a: {  	s5 =	simm.s32 $_scs_section_size  }
0x9b: {  	s6 =	simm.s32 $_size__tile_overlayer_lowered;
	s7 =	simm.s32 $_tile_overlayer_lowered  }
0x9c: {  	s22 =	simm.s32 $0x1BFF;
	s21 =	sshll.u32 s7, $0x1;
	s4 =	sadd.s32 s5, s19  }
0x9d: {  	s8 =	simm.s32 $0x0;
	s20 =	sshll.u32 s6, $0x1;
	s6 =	sadd.s32 s21, s4  }
0x9e: {  	[timem:s8], [sflag:s22] =	dma.local [hbm:s6], s20  }
0x9f: {  	_ =	swait.ge [sflag:s22], s20  }
0xa0: {  	s5 =	ssub.s32 $0x0, s20;
	[sflag:s22] =	ssyncset.done $0x0  }
0xa1: {  	[sflag:s22] =	ssyncadd.s32 s5;
	_ =	sdelay $0x1  }
0xa2: {  	s23 =	simm.s32 $0x1B8B  }
0xa3: {  	_ =	swait.ge [sflag:s23], $0x1  }
0xa4: {  	[sflag:s23] =	ssyncset.done $0x0  }
0xa5: {  	s25 =	simm.s32 $0x1B8E;
	s24 =	sld [smem:$0x3FFE];
	[sflag:s23] =	ssyncadd.s32 $0xFFFFFFFF  }
0xa6: {  	s26 =	simm.s32 $execute0_lowered;
	[smem:$0x3FD2] =	sst s25  }
0xa7: {  	s6 =	sshll.u32 s26, $0x1;
	_ =	strace $0x80000046;
	[dreg:$0x1] =	wrdreg $0xFFFFFFFF  }
0xa8: {  	s28 =	simm.s32 $_size_execute0_lowered;
	s4 =	sadd.s32 s4, s6;
	[dreg:$0x0] =	wrdreg $0x0  }
0xa9: {  	s6 =	sshll.u32 s28, $0x1;
	[dreg:$0x2] =	wrdreg s4  }
0xaa: {  	[dreg:$0x3] =	wrdreg s6  }
0xab: {  	[dreg:$0x4] =	wrdreg $0xC0  }
0xac: {  	_ =	task [dreg:s8], $0x5FFFF  }
0xad: {  	[dreg:$0x1] =	wrdreg $0xFFFFFFFF  }
0xae: {  	[dreg:$0x0] =	wrdreg $0x60  }
0xaf: {  	[dreg:$0x2] =	wrdreg s2  }
0xb0: {  	[dreg:$0x3] =	wrdreg s18  }
0xb1: {  	[dreg:$0x4] =	wrdreg s24  }
0xb2: {  	[dreg:$0x5] =	wrdreg $0x9  }
0xb3: {  	_ =	task.clear_ibuf [dreg:s8], $0x6FFFF;
	_ =	strace $0x90000046  }
0xb4: {  	s29 =	simm.s32 $0x9;
	_ =	strace $0x80000048  }
0xb5: {  	_ =	swait.ge [sflag:s29], $0x1  }
0xb6: {  	[sflag:s29] =	ssyncadd.s32 $0xFFFFFFFF  }
0xb7: {  	_ =	strace $0x90000048  }
0xb8: {  	_ =	sfence  }
0xb9: {  	s30 =	sld [smem:$0x0];
	_ =	sdelay $0x2  }
0xba: {  	s31 =	sshll.u32 s1, $0xD;
	s1 =	sshrl.u32 s1, $0x2  }
0xbb: {  	s3 =	sand.u32 $0x4000, s31;
	s1 =	sadd.s32 s1, s30  }
0xbc: {  	s0 =	sor.u32 s3, s0;
	s1 =	sshll.u32 s1, $0x11  }
0xbd: {  	s0 =	sor.u32 s1, s0  }
0xbe: {  	s0 =	sadd.s32 $0x8F2B, s0  }
0xbf: {  	[sflag:s0] =	ssyncadd.remote.s32 $0x1  }
0xc0: {  	_ =	sfence.sel $0xFFFF  }
0xc1: {  	[dreg:$0x0] =	wrdreg $0xFFFFFFFF;
	(pc) =	sbr.abs _section_cstart, $3  }
0xc2: {  	[dreg:$0x1] =	wrdreg $0xFFFFFFFF  }
0xc3: {  	_ =	task.clear_ibuf [dreg:s8], $0x2FFFF;
	_ =	strace $0x9FFFFFFF  }
0xc4: {  	(tm) =	ssettm $0x7FFFFFFF  }
0xc5: {  	_ =	shalt  }
tec
execute0_lowered:
.L_overlay_start_1:
0x0: {  	(tag) =	ssettag $0x1  }
0x1: {  	s1 =	rddreg [dreg:$0x0]  }
0x2: {  	s0 =	rddreg [dreg:$0x2];
	s2 =	srdreg.scid;
	s4 =	simm.s32 $0x0  }
0x3: {  	s3 =	stileid.u32;
	s16 =	simm.s32 $0x200;
	s17 =	simm.s32 $0x400  }
0x4: {  	s18 =	simm.s32 $0x1000;
	s19 =	simm.s32 $0x5000;
	s20 =	simm.s32 $0x9000  }
0x5: {  	s21 =	simm.s32 $0x1;
	s22 =	simm.s32 $0xD000;
	s28 =	simm.s32 $0x6  }
0x6: {  	s29 =	simm.s32 $0x7;
	s30 =	simm.s32 $0x8;
	s31 =	simm.s32 $0x0  }
0x7: {  	s2 =	sand.u32 $0x1, s2;
	[smem:$0x7FF] =	sst s4;
	s3 =	sshll.u32 s3, $0x11  }
0x8: {  	s6 =	sadd.s32 $0x600, s0;
	s11 =	sadd.s32 $0x640, s0;
	s23 =	sshll.u32 s2, $0x10  }
0x9: {  	_ =	strace $0x80000047;
	s2 =	ssub.s32 $0x2, s2;
	s5 =	sor.u32 s23, s3  }
0xa: {  	s24 =	sshrl.u32 s2, $0x1;
	s23 =	simm.s32 $0x2;
	s4 =	sadd.s32 s1, s5  }
0xb: {  	s2 =	ssub.s32 s2, s24;
	s9 =	sor.u32 $0x1000, s5;
	s10 =	sor.u32 $0x1040, s5  }
0xc: {  	s24 =	simm.s32 $0x3;
	s25 =	sadd.s32 $0x40, s4;
	[dreg:$0x4] =	wrdreg s4  }
0xd: {  	s12 =	sadd.s32 $0x2000, s4;
	s26 =	smax.u32 s2, $0x1;
	[dreg:$0x5] =	wrdreg s25  }
0xe: {  	s13 =	sadd.s32 $0x2040, s4;
	[dreg:$0x6] =	wrdreg s26;
	s25 =	simm.s32 $0x4  }
.LBB2_1:
0xf: {  	s0 =	rddreg [dreg:$0x1];
	s2 =	simm.s32 $0x0;
	s14 =	simm.s32 $0x9  }
0x10: {  	[tilespmem:s2], [sflag:$0x9] =	stream.linear.gather [hbm4b:s0+s2], $0x1000, $0x38;
	[tilespmem:$0x11000] =	vst v63  }
0x11: {  	_ =	swait.ge [sflag:s14], $0x1000  }
0x12: {  	[sflag:s14] =	ssyncset.done $0x0  }
0x13: {  	s15 =	rddreg [dreg:$0x4];
	[sflag:s14] =	ssyncadd.s32 $0xFFFFF000  }
0x14: {  	[tilespmem:s18], [sflag:$0x1] =	stream.strided.gather [hbm4b:s15+s16], $0x4000, s17, s16, $0x38;
	[tilespmem:$0x11000] =	vst v63  }
0x15: {  	s0 =	simm.s32 $0x0;
	s26 =	rddreg [dreg:$0x5]  }
0x16: {  	[tilespmem:s19], [sflag:$0x2] =	stream.strided.gather [hbm4b:s26+s16], $0x4000, s17, s16, $0x38;
	[tilespmem:$0x11000] =	vst v63  }
.LBB2_2:
0x17: {  	p0 =	seq.s32 s0, $0x0  }
0x18: {  	s2 =	simm.s32 @!p0 $0x7  }
0x19: {  	s3 =	sshll.u32 s0, $0xD;
	_ =	swait.ge @!p0 [sflag:s2], $0x4000  }
0x1a: {  	s4 =	sadd.s32 s9, s3;
	[sflag:s2] =	ssyncset.done @!p0 $0x0  }
0x1b: {  	s26 =	sadd.s32 s1, s4;
	[sflag:s2] =	ssyncadd.s32 @!p0 $0xFFFFC000  }
0x1c: {  	[tilespmem:s20], [sflag:$0x3] =	stream.strided.gather [hbm4b:s26+s16], $0x4000, s17, s16, $0x38;
	[tilespmem:$0x11000] =	vst v63  }
0x1d: {  	_ =	swait.ge [sflag:s21], $0x4000  }
0x1e: {  	[sflag:s21] =	ssyncset.done $0x0  }
0x1f: {  	s7 =	simm.s32 $0x40;
	[sflag:s21] =	ssyncadd.s32 $0xFFFFC000  }
0x20: {  	s2 =	simm.s32 $0x1100;
	v1 =	vld [tilespmem:s7+$0x30]  }
0x21: {  	v5 =	vld [tilespmem:s2+$0xF0]  }
0x22: {  	v2 =	vld [tilespmem:s2+$0xFFFFFF00]  }
0x23: {  	v3 =	vld [tilespmem:s2+$0xFFFFFF80]  }
0x24: {  	v4 =	vld [tilespmem:s2+$0x0]  }
0x25: {  	v0 =	vld [tilespmem:s2+$0x80]  }
0x26: {  	v6 =	vld [tilespmem:s7+$0xFFFFFFD0]  }
0x27: {  	v7 =	vld [tilespmem:s2+$0xFFFFFF10]  }
0x28: {  	v8 =	vld [tilespmem:s2+$0xFFFFFF90]  }
0x29: {  	v9 =	vld [tilespmem:s2+$0x10]  }
0x2a: {  	v10 =	vld [tilespmem:s2+$0x90]  }
0x2b: {  	v11 =	vld [tilespmem:s7+$0xFFFFFFE0]  }
0x2c: {  	v12 =	vld [tilespmem:s2+$0xFFFFFF20]  }
0x2d: {  	v13 =	vld [tilespmem:s2+$0xFFFFFFA0]  }
0x2e: {  	v14 =	vld [tilespmem:s2+$0x20]  }
0x2f: {  	v15 =	vld [tilespmem:s2+$0xA0]  }
0x30: {  	v16 =	vld [tilespmem:s7+$0xFFFFFFF0];
	v5 =	vmul.f32 v5, v1  }
0x31: {  	v17 =	vld [tilespmem:s2+$0xFFFFFF30];
	v7 =	vmul.f32 v7, v6  }
0x32: {  	[tilespmem:s2+$0xF0] =	vst v5;
	v5 =	vmul.f32 v8, v6;
	v8 =	vld [tilespmem:s2+$0xFFFFFFB0]  }
0x33: {  	[tilespmem:s2+$0xFFFFFF10] =	vst v7;
	v7 =	vmul.f32 v9, v6;
	v9 =	vld [tilespmem:s2+$0x30]  }
0x34: {  	[tilespmem:s2+$0xFFFFFF90] =	vst v5;
	v5 =	vmul.f32 v10, v6;
	v6 =	vld [tilespmem:s2+$0xB0]  }
0x35: {  	[tilespmem:s2+$0x10] =	vst v7;
	v7 =	vmul.f32 v12, v11;
	v10 =	vld [tilespmem:s7+$0x0]  }
0x36: {  	v12 =	vld [tilespmem:s2+$0xFFFFFF40];
	[tilespmem:s2+$0x90] =	vst v5;
	v5 =	vmul.f32 v13, v11  }
0x37: {  	[tilespmem:s2+$0xFFFFFF20] =	vst v7;
	v7 =	vmul.f32 v14, v11;
	v13 =	vld [tilespmem:s2+$0xFFFFFFC0]  }
0x38: {  	v14 =	vld [tilespmem:s2+$0xC0];
	[tilespmem:s2+$0xFFFFFFA0] =	vst v5;
	v5 =	vmul.f32 v15, v11  }
0x39: {  	v11 =	vld [tilespmem:s2+$0x40];
	[tilespmem:s2+$0x20] =	vst v7;
	v7 =	vmul.f32 v17, v16  }
0x3a: {  	v15 =	vld [tilespmem:s2+$0xD0];
	[tilespmem:s2+$0xA0] =	vst v5;
	v5 =	vmul.f32 v8, v16  }
0x3b: {  	v8 =	vld [tilespmem:s7+$0x10];
	[tilespmem:s2+$0xFFFFFF30] =	vst v7;
	v7 =	vmul.f32 v9, v16  }
0x3c: {  	v9 =	vld [tilespmem:s2+$0xFFFFFF50];
	[tilespmem:s2+$0xFFFFFFB0] =	vst v5;
	v5 =	vmul.f32 v6, v16  }
0x3d: {  	v6 =	vld [tilespmem:s2+$0xFFFFFFD0];
	[tilespmem:s2+$0x30] =	vst v7;
	v7 =	vmul.f32 v12, v10  }
0x3e: {  	v13 =	vmul.f32 v13, v10;
	v12 =	vld [tilespmem:s2+$0x50];
	[tilespmem:s2+$0xB0] =	vst v5  }
0x3f: {  	[tilespmem:s2+$0xFFFFFF40] =	vst v7;
	v7 =	vmul.f32 v11, v10;
	v5 =	vld [tilespmem:s7+$0x20]  }
0x40: {  	[tilespmem:s2+$0xFFFFFFC0] =	vst v13;
	v10 =	vmul.f32 v14, v10;
	v11 =	vld [tilespmem:s2+$0xFFFFFF60]  }
0x41: {  	v13 =	vld [tilespmem:s2+$0xFFFFFFE0];
	[tilespmem:s2+$0x40] =	vst v7;
	v7 =	vmul.f32 v9, v8  }
0x42: {  	v14 =	vld [tilespmem:s2+$0x60];
	[tilespmem:s2+$0xC0] =	vst v10;
	v6 =	vmul.f32 v6, v8  }
0x43: {  	v10 =	vld [tilespmem:s2+$0xE0];
	[tilespmem:s2+$0xFFFFFF50] =	vst v7;
	v7 =	vmul.f32 v12, v8  }
0x44: {  	[tilespmem:s2+$0xFFFFFFD0] =	vst v6;
	v6 =	vmul.f32 v15, v8;
	v8 =	vld [tilespmem:s2+$0xFFFFFF70]  }
0x45: {  	v9 =	vld [tilespmem:s2+$0xFFFFFFF0];
	v12 =	vmul.f32 v11, v5;
	[tilespmem:s2+$0x50] =	vst v7  }
0x46: {  	v11 =	vmul.f32 v13, v5;
	v7 =	vld [tilespmem:s2+$0x70];
	[tilespmem:s2+$0xD0] =	vst v6  }
0x47: {  	s8 =	simm.s32 $0x0;
	s14 =	simm.s32 $0x1100;
	v6 =	vld [tilespmem:s7+$0xFFFFFFC0];
	[tilespmem:s2+$0xFFFFFF60] =	vst v12;
	v12 =	vmul.f32 v14, v5;
	s7 =	simm.s32 $0xC0  }
.LBB2_3:
0x48: {  	v13 =	vld [tilespmem:s7+$0x30];
	[tilespmem:s2+$0xFFFFFFE0] =	vst v11;
	v5 =	vmul.f32 v10, v5;
	s14 =	sadd.s32 $0x200, s14  }
0x49: {  	s8 =	sadd.s32 $0x8, s8;
	v10 =	vld [tilespmem:s14+$0xF0];
	[tilespmem:s2+$0x60] =	vst v12;
	v8 =	vmul.f32 v8, v1  }
0x4a: {  	p1 =	slt.u32 s8, $0xF8;
	v11 =	vld [tilespmem:s14+$0xFFFFFF00];
	[tilespmem:s2+$0xE0] =	vst v5;
	v5 =	vmul.f32 v9, v1  }
0x4b: {  	v9 =	vld [tilespmem:s14+$0xFFFFFF80];
	[tilespmem:s2+$0xFFFFFF70] =	vst v8;
	v8 =	vmul.f32 v7, v1  }
0x4c: {  	v7 =	vld [tilespmem:s14+$0x0];
	v12 =	vmul.f32 v2, v6;
	v3 =	vmul.f32 v3, v6;
	[tilespmem:s2+$0xFFFFFFF0] =	vst v5  }
0x4d: {  	v4 =	vmul.f32 v4, v6;
	v5 =	vmul.f32 v0, v6;
	v0 =	vld [tilespmem:s14+$0x80];
	[tilespmem:s2+$0x70] =	vst v8;
	v1 =	vmov v13  }
0x4e: {  	v6 =	vld [tilespmem:s7+$0xFFFFFFD0];
	v8 =	vmul.f32 v10, v1;
	[tilespmem:s2+$0xFFFFFF00] =	vst v12  }
0x4f: {  	v10 =	vld [tilespmem:s14+$0xFFFFFF10];
	[tilespmem:s2+$0xFFFFFF80] =	vst v3;
	v2 =	vmov v11  }
0x50: {  	v11 =	vld [tilespmem:s14+$0xFFFFFF90];
	[tilespmem:s14+$0xF0] =	vst v8;
	v3 =	vmov v9  }
0x51: {  	v8 =	vld [tilespmem:s14+$0x10];
	[tilespmem:s2+$0x0] =	vst v4;
	v4 =	vmov v7  }
0x52: {  	v7 =	vld [tilespmem:s14+$0x90];
	[tilespmem:s2+$0x80] =	vst v5;
	s2 =	smov.u32 s14  }
0x53: {  	v5 =	vld [tilespmem:s7+$0xFFFFFFE0]  }
0x54: {  	v9 =	vmul.f32 v10, v6;
	v10 =	vld [tilespmem:s14+$0xFFFFFF20]  }
0x55: {  	v11 =	vmul.f32 v11, v6;
	v12 =	vld [tilespmem:s14+$0xFFFFFFA0]  }
0x56: {  	[tilespmem:s14+$0xFFFFFF10] =	vst v9;
	v8 =	vmul.f32 v8, v6;
	v9 =	vld [tilespmem:s14+$0x20]  }
0x57: {  	[tilespmem:s14+$0xFFFFFF90] =	vst v11;
	v6 =	vmul.f32 v7, v6;
	v7 =	vld [tilespmem:s14+$0xA0]  }
0x58: {  	[tilespmem:s14+$0x10] =	vst v8;
	v8 =	vld [tilespmem:s7+$0xFFFFFFF0]  }
0x59: {  	[tilespmem:s14+$0x90] =	vst v6;
	v6 =	vmul.f32 v10, v5;
	v10 =	vld [tilespmem:s14+$0xFFFFFF30]  }
0x5a: {  	v11 =	vmul.f32 v12, v5;
	v12 =	vld [tilespmem:s14+$0xFFFFFFB0]  }
0x5b: {  	[tilespmem:s14+$0xFFFFFF20] =	vst v6;
	v6 =	vmul.f32 v9, v5;
	v9 =	vld [tilespmem:s14+$0x30]  }
0x5c: {  	[tilespmem:s14+$0xFFFFFFA0] =	vst v11;
	v5 =	vmul.f32 v7, v5;
	v7 =	vld [tilespmem:s14+$0xB0]  }
0x5d: {  	[tilespmem:s14+$0x20] =	vst v6;
	v6 =	vld [tilespmem:s7+$0x0]  }
0x5e: {  	[tilespmem:s14+$0xA0] =	vst v5;
	v5 =	vmul.f32 v10, v8;
	v10 =	vld [tilespmem:s14+$0xFFFFFF40]  }
0x5f: {  	v11 =	vmul.f32 v12, v8;
	v12 =	vld [tilespmem:s14+$0xFFFFFFC0]  }
0x60: {  	[tilespmem:s14+$0xFFFFFF30] =	vst v5;
	v5 =	vmul.f32 v9, v8;
	v9 =	vld [tilespmem:s14+$0x40]  }
0x61: {  	[tilespmem:s14+$0xFFFFFFB0] =	vst v11;
	v7 =	vmul.f32 v7, v8;
	v8 =	vld [tilespmem:s14+$0xC0]  }
0x62: {  	[tilespmem:s14+$0x30] =	vst v5;
	v11 =	vld [tilespmem:s7+$0x10]  }
0x63: {  	[tilespmem:s14+$0xB0] =	vst v7;
	v5 =	vmul.f32 v10, v6;
	v7 =	vld [tilespmem:s14+$0xFFFFFF50]  }
0x64: {  	v10 =	vmul.f32 v12, v6;
	v12 =	vld [tilespmem:s14+$0xFFFFFFD0]  }
0x65: {  	[tilespmem:s14+$0xFFFFFF40] =	vst v5;
	v5 =	vmul.f32 v9, v6;
	v9 =	vld [tilespmem:s14+$0x50]  }
0x66: {  	[tilespmem:s14+$0xFFFFFFC0] =	vst v10;
	v6 =	vmul.f32 v8, v6;
	v8 =	vld [tilespmem:s14+$0xD0]  }
0x67: {  	[tilespmem:s14+$0x40] =	vst v5;
	v5 =	vld [tilespmem:s7+$0x20]  }
0x68: {  	[tilespmem:s14+$0xC0] =	vst v6;
	v6 =	vmul.f32 v7, v11;
	v7 =	vld [tilespmem:s14+$0xFFFFFF60]  }
0x69: {  	v10 =	vmul.f32 v12, v11;
	v12 =	vld [tilespmem:s14+$0xFFFFFFE0]  }
0x6a: {  	[tilespmem:s14+$0xFFFFFF50] =	vst v6;
	v6 =	vmul.f32 v9, v11;
	v13 =	vld [tilespmem:s14+$0x60]  }
.Ltmp0:
0x6b: {  	[tilespmem:s14+$0xFFFFFFD0] =	vst v10;
	v9 =	vmul.f32 v8, v11;
	v10 =	vld [tilespmem:s14+$0xE0];
	(pc) =	sbr.rel @p1 .LBB2_3-.Ltmp0, $4  }
0x6c: {  	[tilespmem:s14+$0x50] =	vst v6;
	v8 =	vld [tilespmem:s14+$0xFFFFFF70]  }
0x6d: {  	[tilespmem:s14+$0xD0] =	vst v9;
	v14 =	vmul.f32 v7, v5;
	v9 =	vld [tilespmem:s14+$0xFFFFFFF0]  }
0x6e: {  	v11 =	vmul.f32 v12, v5;
	v7 =	vld [tilespmem:s14+$0x70]  }
0x6f: {  	v6 =	vld [tilespmem:s7+$0xFFFFFFC0];
	[tilespmem:s14+$0xFFFFFF60] =	vst v14;
	v12 =	vmul.f32 v13, v5;
	s7 =	sadd.s32 $0x80, s7  }
0x70: {  	[tilespmem:s2+$0xFFFFFFE0] =	vst v11;
	v5 =	vmul.f32 v10, v5  }
0x71: {  	[tilespmem:s2+$0x60] =	vst v12;
	v8 =	vmul.f32 v8, v1  }
0x72: {  	[tilespmem:s2+$0xE0] =	vst v5;
	v5 =	vmul.f32 v9, v1  }
0x73: {  	[tilespmem:s2+$0xFFFFFF70] =	vst v8;
	v1 =	vmul.f32 v7, v1  }
0x74: {  	v2 =	vmul.f32 v2, v6;
	[tilespmem:s2+$0xFFFFFFF0] =	vst v5  }
0x75: {  	v3 =	vmul.f32 v3, v6;
	[tilespmem:s2+$0x70] =	vst v1  }
0x76: {  	v0 =	vmul.f32 v0, v6;
	[tilespmem:s2+$0xFFFFFF00] =	vst v2  }
0x77: {  	v1 =	vmul.f32 v4, v6;
	[tilespmem:s2+$0xFFFFFF80] =	vst v3  }
0x78: {  	s8 =	sor.u32 s5, s3;
	[tilespmem:s2+$0x80] =	vst v0  }
0x79: {  	s7 =	simm.s32 @!p0 $0x8;
	s15 =	sadd.s32 s6, s8;
	[tilespmem:s2+$0x0] =	vst v1  }
0x7a: {  	[hbm4b:s15+s16] =	stream.strided.scatter [tilespmem:s18], [sflag:$0x5], $0x4000, s17, s16, $0x38;
	[tilespmem:$0x11000] =	vst v63  }
0x7b: {  	_ =	swait.ge @!p0 [sflag:s7], $0x4000  }
0x7c: {  	s2 =	sadd.s32 s10, s3;
	[sflag:s7] =	ssyncset.done @!p0 $0x0  }
0x7d: {  	s26 =	sadd.s32 s1, s2;
	[sflag:s7] =	ssyncadd.s32 @!p0 $0xFFFFC000  }
0x7e: {  	[tilespmem:s22], [sflag:$0x4] =	stream.strided.gather [hbm4b:s26+s16], $0x4000, s17, s16, $0x38;
	[tilespmem:$0x11000] =	vst v63  }
0x7f: {  	_ =	swait.ge [sflag:s23], $0x4000  }
0x80: {  	[sflag:s23] =	ssyncset.done $0x0  }
0x81: {  	s15 =	simm.s32 $0x40;
	[sflag:s23] =	ssyncadd.s32 $0xFFFFC000  }
0x82: {  	s14 =	simm.s32 $0x5100;
	v1 =	vld [tilespmem:s15+$0x30]  }
0x83: {  	v5 =	vld [tilespmem:s14+$0xF0]  }
0x84: {  	v2 =	vld [tilespmem:s14+$0xFFFFFF00]  }
0x85: {  	v3 =	vld [tilespmem:s14+$0xFFFFFF80]  }
0x86: {  	v4 =	vld [tilespmem:s14+$0x0]  }
0x87: {  	v0 =	vld [tilespmem:s14+$0x80]  }
0x88: {  	v6 =	vld [tilespmem:s15+$0xFFFFFFD0]  }
0x89: {  	v7 =	vld [tilespmem:s14+$0xFFFFFF10]  }
0x8a: {  	v8 =	vld [tilespmem:s14+$0xFFFFFF90]  }
0x8b: {  	v9 =	vld [tilespmem:s14+$0x10]  }
0x8c: {  	v10 =	vld [tilespmem:s14+$0x90]  }
0x8d: {  	v11 =	vld [tilespmem:s15+$0xFFFFFFE0]  }
0x8e: {  	v12 =	vld [tilespmem:s14+$0xFFFFFF20]  }
0x8f: {  	v13 =	vld [tilespmem:s14+$0xFFFFFFA0]  }
0x90: {  	v14 =	vld [tilespmem:s14+$0x20]  }
0x91: {  	v15 =	vld [tilespmem:s14+$0xA0]  }
0x92: {  	v16 =	vld [tilespmem:s15+$0xFFFFFFF0];
	v5 =	vmul.f32 v5, v1  }
0x93: {  	v17 =	vld [tilespmem:s14+$0xFFFFFF30];
	v7 =	vmul.f32 v7, v6  }
0x94: {  	[tilespmem:s14+$0xF0] =	vst v5;
	v5 =	vmul.f32 v8, v6;
	v8 =	vld [tilespmem:s14+$0xFFFFFFB0]  }
0x95: {  	[tilespmem:s14+$0xFFFFFF10] =	vst v7;
	v7 =	vmul.f32 v9, v6;
	v9 =	vld [tilespmem:s14+$0x30]  }
0x96: {  	[tilespmem:s14+$0xFFFFFF90] =	vst v5;
	v5 =	vmul.f32 v10, v6;
	v6 =	vld [tilespmem:s14+$0xB0]  }
0x97: {  	[tilespmem:s14+$0x10] =	vst v7;
	v7 =	vmul.f32 v12, v11;
	v10 =	vld [tilespmem:s15+$0x0]  }
0x98: {  	v12 =	vld [tilespmem:s14+$0xFFFFFF40];
	[tilespmem:s14+$0x90] =	vst v5;
	v5 =	vmul.f32 v13, v11  }
0x99: {  	[tilespmem:s14+$0xFFFFFF20] =	vst v7;
	v7 =	vmul.f32 v14, v11;
	v13 =	vld [tilespmem:s14+$0xFFFFFFC0]  }
0x9a: {  	v14 =	vld [tilespmem:s14+$0xC0];
	[tilespmem:s14+$0xFFFFFFA0] =	vst v5;
	v5 =	vmul.f32 v15, v11  }
0x9b: {  	v11 =	vld [tilespmem:s14+$0x40];
	[tilespmem:s14+$0x20] =	vst v7;
	v7 =	vmul.f32 v17, v16  }
0x9c: {  	v15 =	vld [tilespmem:s14+$0xD0];
	[tilespmem:s14+$0xA0] =	vst v5;
	v5 =	vmul.f32 v8, v16  }
0x9d: {  	v8 =	vld [tilespmem:s15+$0x10];
	[tilespmem:s14+$0xFFFFFF30] =	vst v7;
	v7 =	vmul.f32 v9, v16  }
0x9e: {  	v9 =	vld [tilespmem:s14+$0xFFFFFF50];
	[tilespmem:s14+$0xFFFFFFB0] =	vst v5;
	v5 =	vmul.f32 v6, v16  }
0x9f: {  	v6 =	vld [tilespmem:s14+$0xFFFFFFD0];
	[tilespmem:s14+$0x30] =	vst v7;
	v7 =	vmul.f32 v12, v10  }
0xa0: {  	v13 =	vmul.f32 v13, v10;
	v12 =	vld [tilespmem:s14+$0x50];
	[tilespmem:s14+$0xB0] =	vst v5  }
0xa1: {  	[tilespmem:s14+$0xFFFFFF40] =	vst v7;
	v7 =	vmul.f32 v11, v10;
	v5 =	vld [tilespmem:s15+$0x20]  }
0xa2: {  	[tilespmem:s14+$0xFFFFFFC0] =	vst v13;
	v10 =	vmul.f32 v14, v10;
	v11 =	vld [tilespmem:s14+$0xFFFFFF60]  }
0xa3: {  	v13 =	vld [tilespmem:s14+$0xFFFFFFE0];
	[tilespmem:s14+$0x40] =	vst v7;
	v7 =	vmul.f32 v9, v8  }
0xa4: {  	v14 =	vld [tilespmem:s14+$0x60];
	[tilespmem:s14+$0xC0] =	vst v10;
	v6 =	vmul.f32 v6, v8  }
0xa5: {  	v10 =	vld [tilespmem:s14+$0xE0];
	[tilespmem:s14+$0xFFFFFF50] =	vst v7;
	v7 =	vmul.f32 v12, v8  }
0xa6: {  	[tilespmem:s14+$0xFFFFFFD0] =	vst v6;
	v6 =	vmul.f32 v15, v8;
	v8 =	vld [tilespmem:s14+$0xFFFFFF70]  }
0xa7: {  	v9 =	vld [tilespmem:s14+$0xFFFFFFF0];
	v12 =	vmul.f32 v11, v5;
	[tilespmem:s14+$0x50] =	vst v7  }
0xa8: {  	v11 =	vmul.f32 v13, v5;
	v7 =	vld [tilespmem:s14+$0x70];
	[tilespmem:s14+$0xD0] =	vst v6  }
0xa9: {  	s7 =	simm.s32 $0x0;
	s26 =	simm.s32 $0x5100;
	v6 =	vld [tilespmem:s15+$0xFFFFFFC0];
	[tilespmem:s14+$0xFFFFFF60] =	vst v12;
	v12 =	vmul.f32 v14, v5;
	s15 =	simm.s32 $0xC0  }
.LBB2_5:
0xaa: {  	v13 =	vld [tilespmem:s15+$0x30];
	[tilespmem:s14+$0xFFFFFFE0] =	vst v11;
	v5 =	vmul.f32 v10, v5;
	s26 =	sadd.s32 $0x200, s26  }
0xab: {  	s7 =	sadd.s32 $0x8, s7;
	v10 =	vld [tilespmem:s26+$0xF0];
	[tilespmem:s14+$0x60] =	vst v12;
	v8 =	vmul.f32 v8, v1  }
0xac: {  	p0 =	slt.u32 s7, $0xF8;
	v11 =	vld [tilespmem:s26+$0xFFFFFF00];
	[tilespmem:s14+$0xE0] =	vst v5;
	v5 =	vmul.f32 v9, v1  }
0xad: {  	v9 =	vld [tilespmem:s26+$0xFFFFFF80];
	[tilespmem:s14+$0xFFFFFF70] =	vst v8;
	v8 =	vmul.f32 v7, v1  }
0xae: {  	v7 =	vld [tilespmem:s26+$0x0];
	v12 =	vmul.f32 v2, v6;
	v3 =	vmul.f32 v3, v6;
	[tilespmem:s14+$0xFFFFFFF0] =	vst v5  }
0xaf: {  	v4 =	vmul.f32 v4, v6;
	v5 =	vmul.f32 v0, v6;
	v0 =	vld [tilespmem:s26+$0x80];
	[tilespmem:s14+$0x70] =	vst v8;
	v1 =	vmov v13  }
0xb0: {  	v6 =	vld [tilespmem:s15+$0xFFFFFFD0];
	v8 =	vmul.f32 v10, v1;
	[tilespmem:s14+$0xFFFFFF00] =	vst v12  }
0xb1: {  	v10 =	vld [tilespmem:s26+$0xFFFFFF10];
	[tilespmem:s14+$0xFFFFFF80] =	vst v3;
	v2 =	vmov v11  }
0xb2: {  	v11 =	vld [tilespmem:s26+$0xFFFFFF90];
	[tilespmem:s26+$0xF0] =	vst v8;
	v3 =	vmov v9  }
0xb3: {  	v8 =	vld [tilespmem:s26+$0x10];
	[tilespmem:s14+$0x0] =	vst v4;
	v4 =	vmov v7  }
0xb4: {  	v7 =	vld [tilespmem:s26+$0x90];
	[tilespmem:s14+$0x80] =	vst v5;
	s14 =	smov.u32 s26  }
0xb5: {  	v5 =	vld [tilespmem:s15+$0xFFFFFFE0]  }
0xb6: {  	v9 =	vmul.f32 v10, v6;
	v10 =	vld [tilespmem:s26+$0xFFFFFF20]  }
0xb7: {  	v11 =	vmul.f32 v11, v6;
	v12 =	vld [tilespmem:s26+$0xFFFFFFA0]  }
0xb8: {  	[tilespmem:s26+$0xFFFFFF10] =	vst v9;
	v8 =	vmul.f32 v8, v6;
	v9 =	vld [tilespmem:s26+$0x20]  }
0xb9: {  	[tilespmem:s26+$0xFFFFFF90] =	vst v11;
	v6 =	vmul.f32 v7, v6;
	v7 =	vld [tilespmem:s26+$0xA0]  }
0xba: {  	[tilespmem:s26+$0x10] =	vst v8;
	v8 =	vld [tilespmem:s15+$0xFFFFFFF0]  }
0xbb: {  	[tilespmem:s26+$0x90] =	vst v6;
	v6 =	vmul.f32 v10, v5;
	v10 =	vld [tilespmem:s26+$0xFFFFFF30]  }
0xbc: {  	v11 =	vmul.f32 v12, v5;
	v12 =	vld [tilespmem:s26+$0xFFFFFFB0]  }
0xbd: {  	[tilespmem:s26+$0xFFFFFF20] =	vst v6;
	v6 =	vmul.f32 v9, v5;
	v9 =	vld [tilespmem:s26+$0x30]  }
0xbe: {  	[tilespmem:s26+$0xFFFFFFA0] =	vst v11;
	v5 =	vmul.f32 v7, v5;
	v7 =	vld [tilespmem:s26+$0xB0]  }
0xbf: {  	[tilespmem:s26+$0x20] =	vst v6;
	v6 =	vld [tilespmem:s15+$0x0]  }
0xc0: {  	[tilespmem:s26+$0xA0] =	vst v5;
	v5 =	vmul.f32 v10, v8;
	v10 =	vld [tilespmem:s26+$0xFFFFFF40]  }
0xc1: {  	v11 =	vmul.f32 v12, v8;
	v12 =	vld [tilespmem:s26+$0xFFFFFFC0]  }
0xc2: {  	[tilespmem:s26+$0xFFFFFF30] =	vst v5;
	v5 =	vmul.f32 v9, v8;
	v9 =	vld [tilespmem:s26+$0x40]  }
0xc3: {  	[tilespmem:s26+$0xFFFFFFB0] =	vst v11;
	v7 =	vmul.f32 v7, v8;
	v8 =	vld [tilespmem:s26+$0xC0]  }
0xc4: {  	[tilespmem:s26+$0x30] =	vst v5;
	v11 =	vld [tilespmem:s15+$0x10]  }
0xc5: {  	[tilespmem:s26+$0xB0] =	vst v7;
	v5 =	vmul.f32 v10, v6;
	v7 =	vld [tilespmem:s26+$0xFFFFFF50]  }
0xc6: {  	v10 =	vmul.f32 v12, v6;
	v12 =	vld [tilespmem:s26+$0xFFFFFFD0]  }
0xc7: {  	[tilespmem:s26+$0xFFFFFF40] =	vst v5;
	v5 =	vmul.f32 v9, v6;
	v9 =	vld [tilespmem:s26+$0x50]  }
0xc8: {  	[tilespmem:s26+$0xFFFFFFC0] =	vst v10;
	v6 =	vmul.f32 v8, v6;
	v8 =	vld [tilespmem:s26+$0xD0]  }
0xc9: {  	[tilespmem:s26+$0x40] =	vst v5;
	v5 =	vld [tilespmem:s15+$0x20]  }
0xca: {  	[tilespmem:s26+$0xC0] =	vst v6;
	v6 =	vmul.f32 v7, v11;
	v7 =	vld [tilespmem:s26+$0xFFFFFF60]  }
0xcb: {  	v10 =	vmul.f32 v12, v11;
	v12 =	vld [tilespmem:s26+$0xFFFFFFE0]  }
0xcc: {  	[tilespmem:s26+$0xFFFFFF50] =	vst v6;
	v6 =	vmul.f32 v9, v11;
	v13 =	vld [tilespmem:s26+$0x60]  }
.Ltmp1:
0xcd: {  	[tilespmem:s26+$0xFFFFFFD0] =	vst v10;
	v9 =	vmul.f32 v8, v11;
	v10 =	vld [tilespmem:s26+$0xE0];
	(pc) =	sbr.rel @p0 .LBB2_5-.Ltmp1, $4  }
0xce: {  	[tilespmem:s26+$0x50] =	vst v6;
	v8 =	vld [tilespmem:s26+$0xFFFFFF70]  }
0xcf: {  	[tilespmem:s26+$0xD0] =	vst v9;
	v14 =	vmul.f32 v7, v5;
	v9 =	vld [tilespmem:s26+$0xFFFFFFF0]  }
0xd0: {  	v11 =	vmul.f32 v12, v5;
	v7 =	vld [tilespmem:s26+$0x70]  }
0xd1: {  	v6 =	vld [tilespmem:s15+$0xFFFFFFC0];
	[tilespmem:s26+$0xFFFFFF60] =	vst v14;
	v12 =	vmul.f32 v13, v5;
	s15 =	sadd.s32 $0x80, s15  }
0xd2: {  	[tilespmem:s14+$0xFFFFFFE0] =	vst v11;
	v5 =	vmul.f32 v10, v5  }
0xd3: {  	[tilespmem:s14+$0x60] =	vst v12;
	v8 =	vmul.f32 v8, v1  }
0xd4: {  	[tilespmem:s14+$0xE0] =	vst v5;
	v5 =	vmul.f32 v9, v1  }
0xd5: {  	[tilespmem:s14+$0xFFFFFF70] =	vst v8;
	v1 =	vmul.f32 v7, v1  }
0xd6: {  	v2 =	vmul.f32 v2, v6;
	[tilespmem:s14+$0xFFFFFFF0] =	vst v5  }
0xd7: {  	v3 =	vmul.f32 v3, v6;
	[tilespmem:s14+$0x70] =	vst v1  }
0xd8: {  	v0 =	vmul.f32 v0, v6;
	[tilespmem:s14+$0xFFFFFF00] =	vst v2  }
0xd9: {  	v1 =	vmul.f32 v4, v6;
	[tilespmem:s14+$0xFFFFFF80] =	vst v3  }
0xda: {  	[tilespmem:s14+$0x80] =	vst v0  }
0xdb: {  	s7 =	sadd.s32 s8, s11;
	p0 =	seq.s32 s0, $0x7;
	[tilespmem:s14+$0x0] =	vst v1  }
0xdc: {  	[hbm4b:s7+s16] =	stream.strided.scatter [tilespmem:s19], [sflag:$0x6], $0x4000, s17, s16, $0x38;
	[tilespmem:$0x11000] =	vst v63  }
0xdd: {  	s7 =	simm.s32 @!p0 $0x5  }
0xde: {  	_ =	swait.ge @!p0 [sflag:s7], $0x4000  }
0xdf: {  	s8 =	simm.s32 @!p0 $0x200;
	s15 =	simm.s32 @!p0 $0x1000;
	[sflag:s7] =	ssyncset.done @!p0 $0x0  }
0xe0: {  	s14 =	simm.s32 @!p0 $0x400;
	[sflag:s7] =	ssyncadd.s32 @!p0 $0xFFFFC000;
	s7 =	sadd.s32 @!p0 s3, s12  }
0xe1: {  	[tilespmem:s15], [sflag:$0x1] =	stream.strided.gather @!p0 [hbm4b:s7+s8], $0x4000, s14, s8, $0x38;
	[tilespmem:$0x11000] =	vst v63  }
0xe2: {  	_ =	swait.ge [sflag:s24], $0x4000  }
0xe3: {  	[sflag:s24] =	ssyncset.done $0x0  }
0xe4: {  	s26 =	simm.s32 $0x40;
	[sflag:s24] =	ssyncadd.s32 $0xFFFFC000  }
0xe5: {  	s8 =	simm.s32 $0x9100;
	v1 =	vld [tilespmem:s26+$0x30]  }
0xe6: {  	v5 =	vld [tilespmem:s8+$0xF0]  }
0xe7: {  	v2 =	vld [tilespmem:s8+$0xFFFFFF00]  }
0xe8: {  	v3 =	vld [tilespmem:s8+$0xFFFFFF80]  }
0xe9: {  	v4 =	vld [tilespmem:s8+$0x0]  }
0xea: {  	v0 =	vld [tilespmem:s8+$0x80]  }
0xeb: {  	v6 =	vld [tilespmem:s26+$0xFFFFFFD0]  }
0xec: {  	v7 =	vld [tilespmem:s8+$0xFFFFFF10]  }
0xed: {  	v8 =	vld [tilespmem:s8+$0xFFFFFF90]  }
0xee: {  	v9 =	vld [tilespmem:s8+$0x10]  }
0xef: {  	v10 =	vld [tilespmem:s8+$0x90]  }
0xf0: {  	v11 =	vld [tilespmem:s26+$0xFFFFFFE0]  }
0xf1: {  	v12 =	vld [tilespmem:s8+$0xFFFFFF20]  }
0xf2: {  	v13 =	vld [tilespmem:s8+$0xFFFFFFA0]  }
0xf3: {  	v14 =	vld [tilespmem:s8+$0x20]  }
0xf4: {  	v15 =	vld [tilespmem:s8+$0xA0]  }
0xf5: {  	v16 =	vld [tilespmem:s26+$0xFFFFFFF0];
	v5 =	vmul.f32 v5, v1  }
0xf6: {  	v17 =	vld [tilespmem:s8+$0xFFFFFF30];
	v7 =	vmul.f32 v7, v6  }
0xf7: {  	[tilespmem:s8+$0xF0] =	vst v5;
	v5 =	vmul.f32 v8, v6;
	v8 =	vld [tilespmem:s8+$0xFFFFFFB0]  }
0xf8: {  	[tilespmem:s8+$0xFFFFFF10] =	vst v7;
	v7 =	vmul.f32 v9, v6;
	v9 =	vld [tilespmem:s8+$0x30]  }
0xf9: {  	[tilespmem:s8+$0xFFFFFF90] =	vst v5;
	v5 =	vmul.f32 v10, v6;
	v6 =	vld [tilespmem:s8+$0xB0]  }
0xfa: {  	[tilespmem:s8+$0x10] =	vst v7;
	v7 =	vmul.f32 v12, v11;
	v10 =	vld [tilespmem:s26+$0x0]  }
0xfb: {  	v12 =	vld [tilespmem:s8+$0xFFFFFF40];
	[tilespmem:s8+$0x90] =	vst v5;
	v5 =	vmul.f32 v13, v11  }
0xfc: {  	[tilespmem:s8+$0xFFFFFF20] =	vst v7;
	v7 =	vmul.f32 v14, v11;
	v13 =	vld [tilespmem:s8+$0xFFFFFFC0]  }
0xfd: {  	v14 =	vld [tilespmem:s8+$0xC0];
	[tilespmem:s8+$0xFFFFFFA0] =	vst v5;
	v5 =	vmul.f32 v15, v11  }
0xfe: {  	v11 =	vld [tilespmem:s8+$0x40];
	[tilespmem:s8+$0x20] =	vst v7;
	v7 =	vmul.f32 v17, v16  }
0xff: {  	v15 =	vld [tilespmem:s8+$0xD0];
	[tilespmem:s8+$0xA0] =	vst v5;
	v5 =	vmul.f32 v8, v16  }
0x100: {  	v8 =	vld [tilespmem:s26+$0x10];
	[tilespmem:s8+$0xFFFFFF30] =	vst v7;
	v7 =	vmul.f32 v9, v16  }
0x101: {  	v9 =	vld [tilespmem:s8+$0xFFFFFF50];
	[tilespmem:s8+$0xFFFFFFB0] =	vst v5;
	v5 =	vmul.f32 v6, v16  }
0x102: {  	v6 =	vld [tilespmem:s8+$0xFFFFFFD0];
	[tilespmem:s8+$0x30] =	vst v7;
	v7 =	vmul.f32 v12, v10  }
0x103: {  	v13 =	vmul.f32 v13, v10;
	v12 =	vld [tilespmem:s8+$0x50];
	[tilespmem:s8+$0xB0] =	vst v5  }
0x104: {  	[tilespmem:s8+$0xFFFFFF40] =	vst v7;
	v7 =	vmul.f32 v11, v10;
	v5 =	vld [tilespmem:s26+$0x20]  }
0x105: {  	[tilespmem:s8+$0xFFFFFFC0] =	vst v13;
	v10 =	vmul.f32 v14, v10;
	v11 =	vld [tilespmem:s8+$0xFFFFFF60]  }
0x106: {  	v13 =	vld [tilespmem:s8+$0xFFFFFFE0];
	[tilespmem:s8+$0x40] =	vst v7;
	v7 =	vmul.f32 v9, v8  }
0x107: {  	v14 =	vld [tilespmem:s8+$0x60];
	[tilespmem:s8+$0xC0] =	vst v10;
	v6 =	vmul.f32 v6, v8  }
0x108: {  	v10 =	vld [tilespmem:s8+$0xE0];
	[tilespmem:s8+$0xFFFFFF50] =	vst v7;
	v7 =	vmul.f32 v12, v8  }
0x109: {  	[tilespmem:s8+$0xFFFFFFD0] =	vst v6;
	v6 =	vmul.f32 v15, v8;
	v8 =	vld [tilespmem:s8+$0xFFFFFF70]  }
0x10a: {  	v9 =	vld [tilespmem:s8+$0xFFFFFFF0];
	v12 =	vmul.f32 v11, v5;
	[tilespmem:s8+$0x50] =	vst v7  }
0x10b: {  	v11 =	vmul.f32 v13, v5;
	v7 =	vld [tilespmem:s8+$0x70];
	[tilespmem:s8+$0xD0] =	vst v6  }
0x10c: {  	s7 =	simm.s32 $0x0;
	s14 =	simm.s32 $0xC0;
	s15 =	simm.s32 $0x9100;
	v6 =	vld [tilespmem:s26+$0xFFFFFFC0];
	[tilespmem:s8+$0xFFFFFF60] =	vst v12;
	v12 =	vmul.f32 v14, v5  }
.LBB2_7:
0x10d: {  	v13 =	vld [tilespmem:s14+$0x30];
	[tilespmem:s8+$0xFFFFFFE0] =	vst v11;
	v5 =	vmul.f32 v10, v5;
	s15 =	sadd.s32 $0x200, s15  }
0x10e: {  	s7 =	sadd.s32 $0x8, s7;
	v10 =	vld [tilespmem:s15+$0xF0];
	[tilespmem:s8+$0x60] =	vst v12;
	v8 =	vmul.f32 v8, v1  }
0x10f: {  	p1 =	slt.u32 s7, $0xF8;
	v11 =	vld [tilespmem:s15+$0xFFFFFF00];
	[tilespmem:s8+$0xE0] =	vst v5;
	v5 =	vmul.f32 v9, v1  }
0x110: {  	v9 =	vld [tilespmem:s15+$0xFFFFFF80];
	[tilespmem:s8+$0xFFFFFF70] =	vst v8;
	v8 =	vmul.f32 v7, v1  }
0x111: {  	v7 =	vld [tilespmem:s15+$0x0];
	v12 =	vmul.f32 v2, v6;
	v3 =	vmul.f32 v3, v6;
	[tilespmem:s8+$0xFFFFFFF0] =	vst v5  }
0x112: {  	v4 =	vmul.f32 v4, v6;
	v5 =	vmul.f32 v0, v6;
	v0 =	vld [tilespmem:s15+$0x80];
	[tilespmem:s8+$0x70] =	vst v8;
	v1 =	vmov v13  }
0x113: {  	v6 =	vld [tilespmem:s14+$0xFFFFFFD0];
	v8 =	vmul.f32 v10, v1;
	[tilespmem:s8+$0xFFFFFF00] =	vst v12  }
0x114: {  	v10 =	vld [tilespmem:s15+$0xFFFFFF10];
	[tilespmem:s8+$0xFFFFFF80] =	vst v3;
	v2 =	vmov v11  }
0x115: {  	v11 =	vld [tilespmem:s15+$0xFFFFFF90];
	[tilespmem:s15+$0xF0] =	vst v8;
	v3 =	vmov v9  }
0x116: {  	v8 =	vld [tilespmem:s15+$0x10];
	[tilespmem:s8+$0x0] =	vst v4;
	v4 =	vmov v7  }
0x117: {  	v7 =	vld [tilespmem:s15+$0x90];
	[tilespmem:s8+$0x80] =	vst v5;
	s8 =	smov.u32 s15  }
0x118: {  	v5 =	vld [tilespmem:s14+$0xFFFFFFE0]  }
0x119: {  	v9 =	vmul.f32 v10, v6;
	v10 =	vld [tilespmem:s15+$0xFFFFFF20]  }
0x11a: {  	v11 =	vmul.f32 v11, v6;
	v12 =	vld [tilespmem:s15+$0xFFFFFFA0]  }
0x11b: {  	[tilespmem:s15+$0xFFFFFF10] =	vst v9;
	v8 =	vmul.f32 v8, v6;
	v9 =	vld [tilespmem:s15+$0x20]  }
0x11c: {  	[tilespmem:s15+$0xFFFFFF90] =	vst v11;
	v6 =	vmul.f32 v7, v6;
	v7 =	vld [tilespmem:s15+$0xA0]  }
0x11d: {  	[tilespmem:s15+$0x10] =	vst v8;
	v8 =	vld [tilespmem:s14+$0xFFFFFFF0]  }
0x11e: {  	[tilespmem:s15+$0x90] =	vst v6;
	v6 =	vmul.f32 v10, v5;
	v10 =	vld [tilespmem:s15+$0xFFFFFF30]  }
0x11f: {  	v11 =	vmul.f32 v12, v5;
	v12 =	vld [tilespmem:s15+$0xFFFFFFB0]  }
0x120: {  	[tilespmem:s15+$0xFFFFFF20] =	vst v6;
	v6 =	vmul.f32 v9, v5;
	v9 =	vld [tilespmem:s15+$0x30]  }
0x121: {  	[tilespmem:s15+$0xFFFFFFA0] =	vst v11;
	v5 =	vmul.f32 v7, v5;
	v7 =	vld [tilespmem:s15+$0xB0]  }
0x122: {  	[tilespmem:s15+$0x20] =	vst v6;
	v6 =	vld [tilespmem:s14+$0x0]  }
0x123: {  	[tilespmem:s15+$0xA0] =	vst v5;
	v5 =	vmul.f32 v10, v8;
	v10 =	vld [tilespmem:s15+$0xFFFFFF40]  }
0x124: {  	v11 =	vmul.f32 v12, v8;
	v12 =	vld [tilespmem:s15+$0xFFFFFFC0]  }
0x125: {  	[tilespmem:s15+$0xFFFFFF30] =	vst v5;
	v5 =	vmul.f32 v9, v8;
	v9 =	vld [tilespmem:s15+$0x40]  }
0x126: {  	[tilespmem:s15+$0xFFFFFFB0] =	vst v11;
	v7 =	vmul.f32 v7, v8;
	v8 =	vld [tilespmem:s15+$0xC0]  }
0x127: {  	[tilespmem:s15+$0x30] =	vst v5;
	v11 =	vld [tilespmem:s14+$0x10]  }
0x128: {  	[tilespmem:s15+$0xB0] =	vst v7;
	v5 =	vmul.f32 v10, v6;
	v7 =	vld [tilespmem:s15+$0xFFFFFF50]  }
0x129: {  	v10 =	vmul.f32 v12, v6;
	v12 =	vld [tilespmem:s15+$0xFFFFFFD0]  }
0x12a: {  	[tilespmem:s15+$0xFFFFFF40] =	vst v5;
	v5 =	vmul.f32 v9, v6;
	v9 =	vld [tilespmem:s15+$0x50]  }
0x12b: {  	[tilespmem:s15+$0xFFFFFFC0] =	vst v10;
	v6 =	vmul.f32 v8, v6;
	v8 =	vld [tilespmem:s15+$0xD0]  }
0x12c: {  	[tilespmem:s15+$0x40] =	vst v5;
	v5 =	vld [tilespmem:s14+$0x20]  }
0x12d: {  	[tilespmem:s15+$0xC0] =	vst v6;
	v6 =	vmul.f32 v7, v11;
	v7 =	vld [tilespmem:s15+$0xFFFFFF60]  }
0x12e: {  	v10 =	vmul.f32 v12, v11;
	v12 =	vld [tilespmem:s15+$0xFFFFFFE0]  }
0x12f: {  	[tilespmem:s15+$0xFFFFFF50] =	vst v6;
	v6 =	vmul.f32 v9, v11;
	v13 =	vld [tilespmem:s15+$0x60]  }
.Ltmp2:
0x130: {  	[tilespmem:s15+$0xFFFFFFD0] =	vst v10;
	v9 =	vmul.f32 v8, v11;
	v10 =	vld [tilespmem:s15+$0xE0];
	(pc) =	sbr.rel @p1 .LBB2_7-.Ltmp2, $4  }
0x131: {  	[tilespmem:s15+$0x50] =	vst v6;
	v8 =	vld [tilespmem:s15+$0xFFFFFF70]  }
0x132: {  	[tilespmem:s15+$0xD0] =	vst v9;
	v14 =	vmul.f32 v7, v5;
	v9 =	vld [tilespmem:s15+$0xFFFFFFF0]  }
0x133: {  	v11 =	vmul.f32 v12, v5;
	v7 =	vld [tilespmem:s15+$0x70]  }
0x134: {  	v6 =	vld [tilespmem:s14+$0xFFFFFFC0];
	[tilespmem:s15+$0xFFFFFF60] =	vst v14;
	v12 =	vmul.f32 v13, v5;
	s14 =	sadd.s32 $0x80, s14  }
0x135: {  	[tilespmem:s8+$0xFFFFFFE0] =	vst v11;
	v5 =	vmul.f32 v10, v5  }
0x136: {  	[tilespmem:s8+$0x60] =	vst v12;
	v8 =	vmul.f32 v8, v1  }
0x137: {  	[tilespmem:s8+$0xE0] =	vst v5;
	v5 =	vmul.f32 v9, v1  }
0x138: {  	[tilespmem:s8+$0xFFFFFF70] =	vst v8;
	v1 =	vmul.f32 v7, v1  }
0x139: {  	v2 =	vmul.f32 v2, v6;
	[tilespmem:s8+$0xFFFFFFF0] =	vst v5  }
0x13a: {  	v3 =	vmul.f32 v3, v6;
	[tilespmem:s8+$0x70] =	vst v1  }
0x13b: {  	v0 =	vmul.f32 v0, v6;
	[tilespmem:s8+$0xFFFFFF00] =	vst v2  }
0x13c: {  	v1 =	vmul.f32 v4, v6;
	[tilespmem:s8+$0xFFFFFF80] =	vst v3  }
0x13d: {  	[tilespmem:s8+$0x80] =	vst v0  }
0x13e: {  	s4 =	sadd.s32 s6, s4;
	[tilespmem:s8+$0x0] =	vst v1  }
0x13f: {  	[hbm4b:s4+s16] =	stream.strided.scatter [tilespmem:s20], [sflag:$0x7], $0x4000, s17, s16, $0x38;
	[tilespmem:$0x11000] =	vst v63  }
0x140: {  	s4 =	simm.s32 @!p0 $0x6  }
0x141: {  	_ =	swait.ge @!p0 [sflag:s4], $0x4000  }
0x142: {  	s3 =	sadd.s32 @!p0 s3, s13;
	s7 =	simm.s32 @!p0 $0x400;
	[sflag:s4] =	ssyncset.done @!p0 $0x0  }
0x143: {  	s8 =	simm.s32 @!p0 $0x5000;
	[sflag:s4] =	ssyncadd.s32 @!p0 $0xFFFFC000;
	s4 =	simm.s32 @!p0 $0x200  }
0x144: {  	[tilespmem:s8], [sflag:$0x2] =	stream.strided.gather @!p0 [hbm4b:s3+s4], $0x4000, s7, s4, $0x38;
	[tilespmem:$0x11000] =	vst v63  }
0x145: {  	_ =	swait.ge [sflag:s25], $0x4000  }
0x146: {  	[sflag:s25] =	ssyncset.done $0x0  }
0x147: {  	s26 =	simm.s32 $0x40;
	[sflag:s25] =	ssyncadd.s32 $0xFFFFC000  }
0x148: {  	s3 =	simm.s32 $0xD100;
	v1 =	vld [tilespmem:s26+$0x30]  }
0x149: {  	v5 =	vld [tilespmem:s3+$0xF0]  }
0x14a: {  	v2 =	vld [tilespmem:s3+$0xFFFFFF00]  }
0x14b: {  	v3 =	vld [tilespmem:s3+$0xFFFFFF80]  }
0x14c: {  	v4 =	vld [tilespmem:s3+$0x0]  }
0x14d: {  	v0 =	vld [tilespmem:s3+$0x80]  }
0x14e: {  	v6 =	vld [tilespmem:s26+$0xFFFFFFD0]  }
0x14f: {  	v7 =	vld [tilespmem:s3+$0xFFFFFF10]  }
0x150: {  	v8 =	vld [tilespmem:s3+$0xFFFFFF90]  }
0x151: {  	v9 =	vld [tilespmem:s3+$0x10]  }
0x152: {  	v10 =	vld [tilespmem:s3+$0x90]  }
0x153: {  	v11 =	vld [tilespmem:s26+$0xFFFFFFE0]  }
0x154: {  	v12 =	vld [tilespmem:s3+$0xFFFFFF20]  }
0x155: {  	v13 =	vld [tilespmem:s3+$0xFFFFFFA0]  }
0x156: {  	v14 =	vld [tilespmem:s3+$0x20]  }
0x157: {  	v15 =	vld [tilespmem:s3+$0xA0]  }
0x158: {  	v16 =	vld [tilespmem:s26+$0xFFFFFFF0];
	v5 =	vmul.f32 v5, v1  }
0x159: {  	v17 =	vld [tilespmem:s3+$0xFFFFFF30];
	v7 =	vmul.f32 v7, v6  }
0x15a: {  	[tilespmem:s3+$0xF0] =	vst v5;
	v5 =	vmul.f32 v8, v6;
	v8 =	vld [tilespmem:s3+$0xFFFFFFB0]  }
0x15b: {  	[tilespmem:s3+$0xFFFFFF10] =	vst v7;
	v7 =	vmul.f32 v9, v6;
	v9 =	vld [tilespmem:s3+$0x30]  }
0x15c: {  	[tilespmem:s3+$0xFFFFFF90] =	vst v5;
	v5 =	vmul.f32 v10, v6;
	v6 =	vld [tilespmem:s3+$0xB0]  }
0x15d: {  	[tilespmem:s3+$0x10] =	vst v7;
	v7 =	vmul.f32 v12, v11;
	v10 =	vld [tilespmem:s26+$0x0]  }
0x15e: {  	v12 =	vld [tilespmem:s3+$0xFFFFFF40];
	[tilespmem:s3+$0x90] =	vst v5;
	v5 =	vmul.f32 v13, v11  }
0x15f: {  	[tilespmem:s3+$0xFFFFFF20] =	vst v7;
	v7 =	vmul.f32 v14, v11;
	v13 =	vld [tilespmem:s3+$0xFFFFFFC0]  }
0x160: {  	v14 =	vld [tilespmem:s3+$0xC0];
	[tilespmem:s3+$0xFFFFFFA0] =	vst v5;
	v5 =	vmul.f32 v15, v11  }
0x161: {  	v11 =	vld [tilespmem:s3+$0x40];
	[tilespmem:s3+$0x20] =	vst v7;
	v7 =	vmul.f32 v17, v16  }
0x162: {  	v15 =	vld [tilespmem:s3+$0xD0];
	[tilespmem:s3+$0xA0] =	vst v5;
	v5 =	vmul.f32 v8, v16  }
0x163: {  	v8 =	vld [tilespmem:s26+$0x10];
	[tilespmem:s3+$0xFFFFFF30] =	vst v7;
	v7 =	vmul.f32 v9, v16  }
0x164: {  	v9 =	vld [tilespmem:s3+$0xFFFFFF50];
	[tilespmem:s3+$0xFFFFFFB0] =	vst v5;
	v5 =	vmul.f32 v6, v16  }
0x165: {  	v6 =	vld [tilespmem:s3+$0xFFFFFFD0];
	[tilespmem:s3+$0x30] =	vst v7;
	v7 =	vmul.f32 v12, v10  }
0x166: {  	v13 =	vmul.f32 v13, v10;
	v12 =	vld [tilespmem:s3+$0x50];
	[tilespmem:s3+$0xB0] =	vst v5  }
0x167: {  	[tilespmem:s3+$0xFFFFFF40] =	vst v7;
	v7 =	vmul.f32 v11, v10;
	v5 =	vld [tilespmem:s26+$0x20]  }
0x168: {  	[tilespmem:s3+$0xFFFFFFC0] =	vst v13;
	v10 =	vmul.f32 v14, v10;
	v11 =	vld [tilespmem:s3+$0xFFFFFF60]  }
0x169: {  	v13 =	vld [tilespmem:s3+$0xFFFFFFE0];
	[tilespmem:s3+$0x40] =	vst v7;
	v7 =	vmul.f32 v9, v8  }
0x16a: {  	v14 =	vld [tilespmem:s3+$0x60];
	[tilespmem:s3+$0xC0] =	vst v10;
	v6 =	vmul.f32 v6, v8  }
0x16b: {  	v10 =	vld [tilespmem:s3+$0xE0];
	[tilespmem:s3+$0xFFFFFF50] =	vst v7;
	v7 =	vmul.f32 v12, v8  }
0x16c: {  	[tilespmem:s3+$0xFFFFFFD0] =	vst v6;
	v6 =	vmul.f32 v15, v8;
	v8 =	vld [tilespmem:s3+$0xFFFFFF70]  }
0x16d: {  	v9 =	vld [tilespmem:s3+$0xFFFFFFF0];
	v12 =	vmul.f32 v11, v5;
	[tilespmem:s3+$0x50] =	vst v7  }
0x16e: {  	v11 =	vmul.f32 v13, v5;
	v7 =	vld [tilespmem:s3+$0x70];
	[tilespmem:s3+$0xD0] =	vst v6  }
0x16f: {  	s4 =	simm.s32 $0x0;
	s7 =	simm.s32 $0xC0;
	s8 =	simm.s32 $0xD100;
	v6 =	vld [tilespmem:s26+$0xFFFFFFC0];
	[tilespmem:s3+$0xFFFFFF60] =	vst v12;
	v12 =	vmul.f32 v14, v5  }
.LBB2_9:
0x170: {  	v13 =	vld [tilespmem:s7+$0x30];
	[tilespmem:s3+$0xFFFFFFE0] =	vst v11;
	v5 =	vmul.f32 v10, v5;
	s8 =	sadd.s32 $0x200, s8  }
0x171: {  	s4 =	sadd.s32 $0x8, s4;
	v10 =	vld [tilespmem:s8+$0xF0];
	[tilespmem:s3+$0x60] =	vst v12;
	v8 =	vmul.f32 v8, v1  }
0x172: {  	p0 =	slt.u32 s4, $0xF8;
	v11 =	vld [tilespmem:s8+$0xFFFFFF00];
	[tilespmem:s3+$0xE0] =	vst v5;
	v5 =	vmul.f32 v9, v1  }
0x173: {  	v9 =	vld [tilespmem:s8+$0xFFFFFF80];
	[tilespmem:s3+$0xFFFFFF70] =	vst v8;
	v8 =	vmul.f32 v7, v1  }
0x174: {  	v7 =	vld [tilespmem:s8+$0x0];
	v12 =	vmul.f32 v2, v6;
	v3 =	vmul.f32 v3, v6;
	[tilespmem:s3+$0xFFFFFFF0] =	vst v5  }
0x175: {  	v4 =	vmul.f32 v4, v6;
	v5 =	vmul.f32 v0, v6;
	v0 =	vld [tilespmem:s8+$0x80];
	[tilespmem:s3+$0x70] =	vst v8;
	v1 =	vmov v13  }
0x176: {  	v6 =	vld [tilespmem:s7+$0xFFFFFFD0];
	v8 =	vmul.f32 v10, v1;
	[tilespmem:s3+$0xFFFFFF00] =	vst v12  }
0x177: {  	v10 =	vld [tilespmem:s8+$0xFFFFFF10];
	[tilespmem:s3+$0xFFFFFF80] =	vst v3;
	v2 =	vmov v11  }
0x178: {  	v11 =	vld [tilespmem:s8+$0xFFFFFF90];
	[tilespmem:s8+$0xF0] =	vst v8;
	v3 =	vmov v9  }
0x179: {  	v8 =	vld [tilespmem:s8+$0x10];
	[tilespmem:s3+$0x0] =	vst v4;
	v4 =	vmov v7  }
0x17a: {  	v7 =	vld [tilespmem:s8+$0x90];
	[tilespmem:s3+$0x80] =	vst v5;
	s3 =	smov.u32 s8  }
0x17b: {  	v5 =	vld [tilespmem:s7+$0xFFFFFFE0]  }
0x17c: {  	v9 =	vmul.f32 v10, v6;
	v10 =	vld [tilespmem:s8+$0xFFFFFF20]  }
0x17d: {  	v11 =	vmul.f32 v11, v6;
	v12 =	vld [tilespmem:s8+$0xFFFFFFA0]  }
0x17e: {  	[tilespmem:s8+$0xFFFFFF10] =	vst v9;
	v8 =	vmul.f32 v8, v6;
	v9 =	vld [tilespmem:s8+$0x20]  }
0x17f: {  	[tilespmem:s8+$0xFFFFFF90] =	vst v11;
	v6 =	vmul.f32 v7, v6;
	v7 =	vld [tilespmem:s8+$0xA0]  }
0x180: {  	[tilespmem:s8+$0x10] =	vst v8;
	v8 =	vld [tilespmem:s7+$0xFFFFFFF0]  }
0x181: {  	[tilespmem:s8+$0x90] =	vst v6;
	v6 =	vmul.f32 v10, v5;
	v10 =	vld [tilespmem:s8+$0xFFFFFF30]  }
0x182: {  	v11 =	vmul.f32 v12, v5;
	v12 =	vld [tilespmem:s8+$0xFFFFFFB0]  }
0x183: {  	[tilespmem:s8+$0xFFFFFF20] =	vst v6;
	v6 =	vmul.f32 v9, v5;
	v9 =	vld [tilespmem:s8+$0x30]  }
0x184: {  	[tilespmem:s8+$0xFFFFFFA0] =	vst v11;
	v5 =	vmul.f32 v7, v5;
	v7 =	vld [tilespmem:s8+$0xB0]  }
0x185: {  	[tilespmem:s8+$0x20] =	vst v6;
	v6 =	vld [tilespmem:s7+$0x0]  }
0x186: {  	[tilespmem:s8+$0xA0] =	vst v5;
	v5 =	vmul.f32 v10, v8;
	v10 =	vld [tilespmem:s8+$0xFFFFFF40]  }
0x187: {  	v11 =	vmul.f32 v12, v8;
	v12 =	vld [tilespmem:s8+$0xFFFFFFC0]  }
0x188: {  	[tilespmem:s8+$0xFFFFFF30] =	vst v5;
	v5 =	vmul.f32 v9, v8;
	v9 =	vld [tilespmem:s8+$0x40]  }
0x189: {  	[tilespmem:s8+$0xFFFFFFB0] =	vst v11;
	v7 =	vmul.f32 v7, v8;
	v8 =	vld [tilespmem:s8+$0xC0]  }
0x18a: {  	[tilespmem:s8+$0x30] =	vst v5;
	v11 =	vld [tilespmem:s7+$0x10]  }
0x18b: {  	[tilespmem:s8+$0xB0] =	vst v7;
	v5 =	vmul.f32 v10, v6;
	v7 =	vld [tilespmem:s8+$0xFFFFFF50]  }
0x18c: {  	v10 =	vmul.f32 v12, v6;
	v12 =	vld [tilespmem:s8+$0xFFFFFFD0]  }
0x18d: {  	[tilespmem:s8+$0xFFFFFF40] =	vst v5;
	v5 =	vmul.f32 v9, v6;
	v9 =	vld [tilespmem:s8+$0x50]  }
0x18e: {  	[tilespmem:s8+$0xFFFFFFC0] =	vst v10;
	v6 =	vmul.f32 v8, v6;
	v8 =	vld [tilespmem:s8+$0xD0]  }
0x18f: {  	[tilespmem:s8+$0x40] =	vst v5;
	v5 =	vld [tilespmem:s7+$0x20]  }
0x190: {  	[tilespmem:s8+$0xC0] =	vst v6;
	v6 =	vmul.f32 v7, v11;
	v7 =	vld [tilespmem:s8+$0xFFFFFF60]  }
0x191: {  	v10 =	vmul.f32 v12, v11;
	v12 =	vld [tilespmem:s8+$0xFFFFFFE0]  }
0x192: {  	[tilespmem:s8+$0xFFFFFF50] =	vst v6;
	v6 =	vmul.f32 v9, v11;
	v13 =	vld [tilespmem:s8+$0x60]  }
.Ltmp3:
0x193: {  	[tilespmem:s8+$0xFFFFFFD0] =	vst v10;
	v9 =	vmul.f32 v8, v11;
	v10 =	vld [tilespmem:s8+$0xE0];
	(pc) =	sbr.rel @p0 .LBB2_9-.Ltmp3, $4  }
0x194: {  	[tilespmem:s8+$0x50] =	vst v6;
	v8 =	vld [tilespmem:s8+$0xFFFFFF70]  }
0x195: {  	[tilespmem:s8+$0xD0] =	vst v9;
	v14 =	vmul.f32 v7, v5;
	v9 =	vld [tilespmem:s8+$0xFFFFFFF0]  }
0x196: {  	v11 =	vmul.f32 v12, v5;
	v7 =	vld [tilespmem:s8+$0x70]  }
0x197: {  	v6 =	vld [tilespmem:s7+$0xFFFFFFC0];
	[tilespmem:s8+$0xFFFFFF60] =	vst v14;
	v12 =	vmul.f32 v13, v5;
	s7 =	sadd.s32 $0x80, s7  }
0x198: {  	[tilespmem:s3+$0xFFFFFFE0] =	vst v11;
	v5 =	vmul.f32 v10, v5  }
0x199: {  	[tilespmem:s3+$0x60] =	vst v12;
	v8 =	vmul.f32 v8, v1  }
0x19a: {  	[tilespmem:s3+$0xE0] =	vst v5;
	v61 =	vmul.f32 v9, v1  }
0x19b: {  	[tilespmem:s3+$0xFFFFFF70] =	vst v8;
	v62 =	vmul.f32 v7, v1  }
0x19c: {  	s0 =	sadd.s32 $0x1, s0;
	v2 =	vmul.f32 v2, v6;
	[tilespmem:s3+$0xFFFFFFF0] =	vst v61  }
0x19d: {  	p0 =	sne.s32 s0, $0x8;
	v3 =	vmul.f32 v3, v6;
	[tilespmem:s3+$0x70] =	vst v62  }
.Ltmp4:
0x19e: {  	v63 =	vmul.f32 v4, v6;
	[tilespmem:s3+$0xFFFFFF00] =	vst v2;
	(pc) =	sbr.rel @p0 .LBB2_2-.Ltmp4, $4  }
0x19f: {  	v0 =	vmul.f32 v0, v6;
	[tilespmem:s3+$0xFFFFFF80] =	vst v3  }
0x1a0: {  	[tilespmem:s3+$0x0] =	vst v63  }
0x1a1: {  	s2 =	sadd.s32 s6, s2;
	[tilespmem:s3+$0x80] =	vst v0  }
0x1a2: {  	[hbm4b:s2+s16] =	stream.strided.scatter [tilespmem:s22], [sflag:$0x8], $0x4000, s17, s16, $0x38;
	[tilespmem:$0x11000] =	vst v63  }
0x1a3: {  	s0 =	simm.s32 $0x5  }
0x1a4: {  	_ =	swait.ge [sflag:s0], $0x4000  }
0x1a5: {  	[sflag:s0] =	ssyncset.done $0x0  }
0x1a6: {  	[sflag:s0] =	ssyncadd.s32 $0xFFFFC000  }
0x1a7: {  	_ =	swait.ge [sflag:s28], $0x4000  }
0x1a8: {  	[sflag:s28] =	ssyncset.done $0x0  }
0x1a9: {  	[sflag:s28] =	ssyncadd.s32 $0xFFFFC000  }
0x1aa: {  	_ =	swait.ge [sflag:s29], $0x4000  }
0x1ab: {  	[sflag:s29] =	ssyncset.done $0x0  }
0x1ac: {  	[sflag:s29] =	ssyncadd.s32 $0xFFFFC000  }
0x1ad: {  	_ =	swait.ge [sflag:s30], $0x4000  }
0x1ae: {  	s31 =	sadd.s32 $0x1, s31;
	s26 =	rddreg [dreg:$0x6]  }
0x1af: {  	p0 =	sne.s32 s31, s26  }
.Ltmp5:
0x1b0: {  	_ = 	snop;
	(pc) =	sbr.rel @p0 .LBB2_1-.Ltmp5, $3  }
0x1b1: {  	_ =	sdelay $0x1  }
0x1b2: {  	[sflag:s30] =	ssyncset.done $0x0  }
0x1b3: {  	[sflag:s30] =	ssyncadd.s32 $0xFFFFC000  }
0x1b4: {  	_ =	sfence.sel $0x180000  }
0x1b5: {  	[bflag:$0x0] =	sbarrier.arrive $0xFFFF  }
0x1b6: {  	_ =	strace $0x90000047  }
0x1b7: {  	s0 =	stileid.u32;
	[bflag:$0x2] =	sbarrier.arrive $0xFFFF  }
0x1b8: {  	p0 =	sne.s32 s0, $0x0;
	s0 =	rddreg [dreg:$0x3]  }
0x1b9: {  	s0 =	sadd.s32 @!p0 $0x100000, s0  }
0x1ba: {  	[sflag:s0] =	ssyncadd.tile.s32 @!p0 $0x1;
	_ =	shalt  }
.Lfunc_end2:
_tile_overlayer_lowered:
.L_overlay_start_2:
0x1bb: {  	(tag) =	ssettag $0x2  }
0x1bc: {  	s0 =	rddreg [dreg:$0x0];
	s2 =	stileid.u32  }
0x1bd: {  	s1 =	rddreg [dreg:$0x1];
	p0 =	sne.s32 s2, $0x0  }
0x1be: {  	s3 =	rddreg [dreg:$0x2];
	[bflag:$0x3] =	sbarrier.arrive $0xFFFF;
	s2 =	simm.s32 @!p0 $0x1C09  }
0x1bf: {  	[timem:s3], [sflag:s2] =	dma.local @!p0 [hbm:s0], s1  }
0x1c0: {  	s0 =	simm.s32 @!p0 $0x9  }
0x1c1: {  	_ =	swait.ge @!p0 [sflag:s0], s1  }
0x1c2: {  	s1 =	ssub.s32 @!p0 $0x0, s1;
	[sflag:s0] =	ssyncset.done @!p0 $0x0  }
0x1c3: {  	[sflag:s0] =	ssyncadd.s32 @!p0 s1  }
0x1c4: {  	[bflag:$0x3] =	sbarrier.arrive $0xFFFF  }
0x1c5: {  	_ =	shalt  }

</sc_bundles>
